<compile_context>
chip_gen: v7x
topology: tpu7x:2x2x1
jax: 0.10.2.dev20260603
libtpu: 0.0.44.dev20260713+nightly
codegen_flags: <defaults>
</compile_context>

<pallas_src>
import functools

import jax
import jax.numpy as jnp
from jax import lax
from jax.experimental import pallas as pl
from jax.experimental.pallas import tpu as pltpu
from jax.experimental.pallas import tpu_sc as plsc

PADDING_IDX = 0
LANES = 16
CHUNK = 16
NQ = 2
QROWS = CHUNK // NQ


def _make_sc_embed(bsz, seq_len, d):
    info = plsc.get_sparse_core_info()
    nw = info.num_cores * info.num_subcores
    nc = info.num_cores
    assert seq_len % (nw * CHUNK) == 0
    seq_per_w = seq_len // nw
    n_chunks = seq_per_w // CHUNK
    n_groups = seq_per_w // LANES

    mesh = plsc.VectorSubcoreMesh(core_axis_name="c", subcore_axis_name="s")

    @functools.partial(
        pl.kernel,
        mesh=mesh,
        out_type=jax.ShapeDtypeStruct((bsz * seq_len, d), jnp.float32),
        scratch_types=[
            pltpu.VMEM((bsz * seq_per_w,), jnp.int32),
            pltpu.VMEM((LANES,), jnp.int32),
        ]
        + [pltpu.VMEM((QROWS, d), jnp.float32) for _ in range(NQ)]
        + [pltpu.SemaphoreType.DMA for _ in range(2 * NQ + 1)],
    )
    def sc_embed(inp_hbm, w_hbm, out_hbm, inp_v, idx_v, *bufsem):
        bufs = bufsem[:NQ]
        semgs = bufsem[NQ : 2 * NQ]
        semws = bufsem[2 * NQ : 3 * NQ]
        semi = bufsem[3 * NQ]
        wid = lax.axis_index("s") * nc + lax.axis_index("c")
        s0 = wid * seq_per_w
        def stage_inp(start):
            for b in range(bsz):
                op = pltpu.async_copy if start else pltpu.make_async_copy
                h = op(
                    inp_hbm.at[pl.ds(b * seq_len + s0, seq_per_w)],
                    inp_v.at[pl.ds(b * seq_per_w, seq_per_w)],
                    semi,
                )
                if not start:
                    h.wait()

        stage_inp(True)
        lane = lax.iota(jnp.int32, LANES)

        def drain_writes(q):
            for _ in range(bsz):
                pltpu.make_async_copy(
                    bufs[q], out_hbm.at[pl.ds(s0, QROWS)], semws[q]
                ).wait()

        def issue_gather(q):
            pltpu.async_copy(
                w_hbm.at[idx_v.at[pl.ds(q * QROWS, QROWS)]], bufs[q], semgs[q]
            )

        def wait_gather(q):
            pltpu.make_async_copy(
                w_hbm.at[idx_v.at[pl.ds(q * QROWS, QROWS)]], bufs[q], semgs[q]
            ).wait()

        def fire_writes(q, row0):
            for b in range(bsz):
                pltpu.async_copy(
                    bufs[q],
                    out_hbm.at[pl.ds(b * seq_len + row0, QROWS)],
                    semws[q],
                )

        def copy_chunk(i, carry):
            idx_v[...] = s0 + i * CHUNK + 1 + lane
            for q in range(NQ):
                @pl.when(i > 0)
                def _():
                    drain_writes(q)

                issue_gather(q)
                wait_gather(q)
                fire_writes(q, s0 + i * CHUNK + q * QROWS)
            return carry

        lax.fori_loop(0, n_chunks, copy_chunk, 0)
        for q in range(NQ):
            drain_writes(q)
        stage_inp(False)

        def fix_group(b, j):
            tok = inp_v[pl.ds(b * seq_per_w + j * LANES, LANES)]
            has_pad = tok[0] == PADDING_IDX
            for r in range(1, LANES):
                has_pad = has_pad | (tok[r] == PADDING_IDX)

            @pl.when(has_pad)
            def _():
                idx_v[...] = jnp.where(
                    tok != PADDING_IDX, s0 + j * LANES + lane + 1, PADDING_IDX
                )
                for q in range(NQ):
                    pltpu.async_copy(
                        w_hbm.at[idx_v.at[pl.ds(q * QROWS, QROWS)]],
                        bufs[q],
                        semgs[q],
                    ).wait()
                    pltpu.sync_copy(
                        bufs[q],
                        out_hbm.at[
                            pl.ds(b * seq_len + s0 + j * LANES + q * QROWS, QROWS)
                        ],
                    )

        for b in range(bsz):
            lax.fori_loop(0, n_groups, lambda j, c, b=b: (fix_group(b, j), c)[1], 0)

    return sc_embed


def kernel(input, weights):
    bsz, seq_len = input.shape
    d = weights.shape[1]
    sc_embed = _make_sc_embed(bsz, seq_len, d)
    out = sc_embed(input.reshape(-1), weights)
    return out.reshape(bsz, seq_len, d)

# --- scband reference (transcript-rebuilt; emitter-appended) ---
"""Pipeline reference for scband-sinusoidal-positional-embedding-32392643347181 (READ-ONLY COPY).

The authoritative reference and input builder live on the scoring server;
editing this copy changes nothing except your own understanding.
"""

import math
import jax, jax.numpy as jnp
import numpy as np

EMBEDDING_DIM = 4096
PADDING_IDX = 0
LEFT_PAD = 0
BSZ = 4
SEQ_LEN = 8192


def get_embedding(num_embeddings, embedding_dim, padding_idx=None):
    half_dim = embedding_dim // 2
    scale = math.log(10000) / (half_dim - 1)
    emb = jnp.exp(jnp.arange(half_dim, dtype=jnp.float32) * -scale)
    emb = jnp.arange(num_embeddings, dtype=jnp.float32)[:, None] * emb[None, :]
    emb = jnp.concatenate([jnp.sin(emb), jnp.cos(emb)], axis=1).reshape(num_embeddings, -1)
    if embedding_dim % 2 == 1:
        emb = jnp.concatenate([emb, jnp.zeros((num_embeddings, 1), dtype=jnp.float32)], axis=1)
    if padding_idx is not None:
        emb = emb.at[padding_idx, :].set(0.0)
    return emb


def setup_inputs(seed: int = 0) -> dict:
    key = jax.random.key(seed)
    inp = jax.random.randint(key, (BSZ, SEQ_LEN), 0, 32000, dtype=jnp.int32)
    max_pos = PADDING_IDX + 1 + SEQ_LEN
    weights = get_embedding(max_pos, EMBEDDING_DIM, PADDING_IDX)
    return {"input": inp, "weights": weights}


def reference(input, weights):
    bsz, seq_len = input.shape
    # make_positions: non-padding symbols get position numbers starting at padding_idx+1
    pos_row = jnp.arange(PADDING_IDX + 1, PADDING_IDX + 1 + seq_len, dtype=input.dtype)
    positions = jnp.broadcast_to(pos_row[None, :], input.shape)
    mask = input != PADDING_IDX
    # left_pad == 0, so no left-shift correction
    positions = jnp.where(mask, positions, input)  # padding symbols keep padding_idx
    positions_flat = positions.reshape(-1)
    selected = jnp.take(weights, positions_flat, axis=0)
    return selected.reshape(bsz, seq_len, -1)

if __name__ == "__main__":
    import jax
    _d = setup_inputs()
    print(jax.jit(kernel)(*tuple(_d.values())))

</pallas_src>

<mosaic_0001>
#map = affine_map<(d0, d1) -> (0)>
#map1 = affine_map<(d0, d1) -> (0, 0)>
module attributes {stable_mosaic.version = 14 : i64} {
  func.func @sc_embed(%arg0: i32, %arg1: i32, %arg2: memref<32768xi32, #tpu.memory_space<hbm>>, %arg3: memref<8193x4096xf32, #tpu.memory_space<hbm>>, %arg4: memref<32768x4096xf32, #tpu.memory_space<hbm>>, %arg5: memref<1024xi32, #tpu.memory_space<vmem>>, %arg6: memref<16xi32, #tpu.memory_space<vmem>>, %arg7: memref<8x4096xf32, #tpu.memory_space<vmem>>, %arg8: memref<8x4096xf32, #tpu.memory_space<vmem>>, %arg9: memref<!tpu.dma_semaphore, #tpu.memory_space<semaphore_mem>>, %arg10: memref<!tpu.dma_semaphore, #tpu.memory_space<semaphore_mem>>, %arg11: memref<!tpu.dma_semaphore, #tpu.memory_space<semaphore_mem>>, %arg12: memref<!tpu.dma_semaphore, #tpu.memory_space<semaphore_mem>>, %arg13: memref<!tpu.dma_semaphore, #tpu.memory_space<semaphore_mem>>) attributes {dimension_semantics = [#tpu.dimension_semantics<core_parallel>, #tpu.dimension_semantics<subcore_parallel>], iteration_bounds = array<i64: 2, 16>, scalar_prefetch = 0 : i64, scratch_operands = 9 : i64, tpu.core_type = #tpu.core_type<sc_vector_subcore>, window_params = [{transform_indices = #map}, {transform_indices = #map1}, {transform_indices = #map1}]} {
    %mul3A = arith.constant 2 : i32
    %mul3A_0 = arith.muli %arg1, %mul3A : i32
    %add3A = arith.addi %mul3A_0, %arg0 : i32
    %mul3A_1 = arith.constant 256 : i32
    %mul3A_2 = arith.muli %add3A, %mul3A_1 : i32
    %add3A_3 = arith.constant 0 : i32
    %add3A_4 = arith.addi %add3A_3, %mul3A_2 : i32
    %dma_start3A = arith.constant 0 : i32
    %dma_start3A_5 = tpu.memref_slice %arg5[%dma_start3A] : memref<1024xi32, #tpu.memory_space<vmem>> -> memref<256xi32, #tpu.memory_space<vmem>>
    %dma_start3A_6 = tpu.memref_slice %arg2[%add3A_4] : memref<32768xi32, #tpu.memory_space<hbm>> -> memref<256xi32, #tpu.memory_space<hbm>>
    %dma_start3A_7 = arith.constant 0 : i32
    %dma_start3A_8 = tpu.memref_slice %arg5[%dma_start3A_7] : memref<1024xi32, #tpu.memory_space<vmem>> -> memref<256xi32, #tpu.memory_space<vmem>>
    %dma_start3A_9 = tpu.memref_slice %arg2[%add3A_4] : memref<32768xi32, #tpu.memory_space<hbm>> -> memref<256xi32, #tpu.memory_space<hbm>>
    tpu.enqueue_dma source(%dma_start3A_9 : memref<256xi32, #tpu.memory_space<hbm>>) target(%dma_start3A_8 : memref<256xi32, #tpu.memory_space<vmem>>) target_semaphore(%arg13 : memref<!tpu.dma_semaphore, #tpu.memory_space<semaphore_mem>>)
    %add3A_10 = arith.constant 8192 : i32
    %add3A_11 = arith.addi %add3A_10, %mul3A_2 : i32
    %dma_start3A_12 = arith.constant 256 : i32
    %dma_start3A_13 = tpu.memref_slice %arg5[%dma_start3A_12] : memref<1024xi32, #tpu.memory_space<vmem>> -> memref<256xi32, #tpu.memory_space<vmem>>
    %dma_start3A_14 = tpu.memref_slice %arg2[%add3A_11] : memref<32768xi32, #tpu.memory_space<hbm>> -> memref<256xi32, #tpu.memory_space<hbm>>
    %dma_start3A_15 = arith.constant 256 : i32
    %dma_start3A_16 = tpu.memref_slice %arg5[%dma_start3A_15] : memref<1024xi32, #tpu.memory_space<vmem>> -> memref<256xi32, #tpu.memory_space<vmem>>
    %dma_start3A_17 = tpu.memref_slice %arg2[%add3A_11] : memref<32768xi32, #tpu.memory_space<hbm>> -> memref<256xi32, #tpu.memory_space<hbm>>
    tpu.enqueue_dma source(%dma_start3A_17 : memref<256xi32, #tpu.memory_space<hbm>>) target(%dma_start3A_16 : memref<256xi32, #tpu.memory_space<vmem>>) target_semaphore(%arg13 : memref<!tpu.dma_semaphore, #tpu.memory_space<semaphore_mem>>)
    %add3A_18 = arith.constant 16384 : i32
    %add3A_19 = arith.addi %add3A_18, %mul3A_2 : i32
    %dma_start3A_20 = arith.constant 512 : i32
    %dma_start3A_21 = tpu.memref_slice %arg5[%dma_start3A_20] : memref<1024xi32, #tpu.memory_space<vmem>> -> memref<256xi32, #tpu.memory_space<vmem>>
    %dma_start3A_22 = tpu.memref_slice %arg2[%add3A_19] : memref<32768xi32, #tpu.memory_space<hbm>> -> memref<256xi32, #tpu.memory_space<hbm>>
    %dma_start3A_23 = arith.constant 512 : i32
    %dma_start3A_24 = tpu.memref_slice %arg5[%dma_start3A_23] : memref<1024xi32, #tpu.memory_space<vmem>> -> memref<256xi32, #tpu.memory_space<vmem>>
    %dma_start3A_25 = tpu.memref_slice %arg2[%add3A_19] : memref<32768xi32, #tpu.memory_space<hbm>> -> memref<256xi32, #tpu.memory_space<hbm>>
    tpu.enqueue_dma source(%dma_start3A_25 : memref<256xi32, #tpu.memory_space<hbm>>) target(%dma_start3A_24 : memref<256xi32, #tpu.memory_space<vmem>>) target_semaphore(%arg13 : memref<!tpu.dma_semaphore, #tpu.memory_space<semaphore_mem>>)
    %add3A_26 = arith.constant 24576 : i32
    %add3A_27 = arith.addi %add3A_26, %mul3A_2 : i32
    %dma_start3A_28 = arith.constant 768 : i32
    %dma_start3A_29 = tpu.memref_slice %arg5[%dma_start3A_28] : memref<1024xi32, #tpu.memory_space<vmem>> -> memref<256xi32, #tpu.memory_space<vmem>>
    %dma_start3A_30 = tpu.memref_slice %arg2[%add3A_27] : memref<32768xi32, #tpu.memory_space<hbm>> -> memref<256xi32, #tpu.memory_space<hbm>>
    %dma_start3A_31 = arith.constant 768 : i32
    %dma_start3A_32 = tpu.memref_slice %arg5[%dma_start3A_31] : memref<1024xi32, #tpu.memory_space<vmem>> -> memref<256xi32, #tpu.memory_space<vmem>>
    %dma_start3A_33 = tpu.memref_slice %arg2[%add3A_27] : memref<32768xi32, #tpu.memory_space<hbm>> -> memref<256xi32, #tpu.memory_space<hbm>>
    tpu.enqueue_dma source(%dma_start3A_33 : memref<256xi32, #tpu.memory_space<hbm>>) target(%dma_start3A_32 : memref<256xi32, #tpu.memory_space<vmem>>) target_semaphore(%arg13 : memref<!tpu.dma_semaphore, #tpu.memory_space<semaphore_mem>>)
    %iota3A = tpu.iota {dimensions = array<i32: 0>} : vector<16xi32>
    %scan3A = arith.constant 0 : i32
    %scan3A_34 = arith.constant 0 : i32
    %scan3A_35 = arith.constant 16 : i32
    %scan3A_36 = arith.addi %scan3A_34, %scan3A_35 : i32
    %scan3A_37 = arith.constant 1 : i32
    scf.for %scan3A_126 = %scan3A_34 to %scan3A_36 step %scan3A_37  : i32 {
      %mul3A_127 = arith.constant 16 : i32
      %mul3A_128 = arith.muli %scan3A_126, %mul3A_127 : i32
      %add3A_129 = arith.addi %mul3A_2, %mul3A_128 : i32
      %add3A_130 = arith.constant 1 : i32
      %add3A_131 = arith.addi %add3A_129, %add3A_130 : i32
      %add3A_132 = vector.broadcast %add3A_131 : i32 to vector<16xi32>
      %add3A_133 = arith.addi %add3A_132, %iota3A : vector<16xi32>
      %swap3A = arith.constant 0 : index
      %swap3A_134 = tpu.vector_load %arg6[%swap3A] {strides = array<i32>} : memref<16xi32, #tpu.memory_space<vmem>>, vector<16xi32>,
      %swap3A_135 = vector.shape_cast %swap3A_134 : vector<16xi32> to vector<16xi32>
      %swap3A_136 = vector.shape_cast %add3A_133 : vector<16xi32> to vector<16xi32>
      tpu.vector_store %arg6[%swap3A], %swap3A_136 {strides = array<i32>} : memref<16xi32, #tpu.memory_space<vmem>>, vector<16xi32>,
      %gt3A = arith.constant 0 : i32
      %gt3A_137 = arith.cmpi sgt, %scan3A_126, %gt3A : i32
      %convert_element_type3A = arith.extui %gt3A_137 : i1 to i32
      %cond3A = arith.constant 0 : i32
      %cond3A_138 = arith.cmpi ne, %convert_element_type3A, %cond3A : i32
      scf.if %cond3A_138 {
        %dma_wait3A_222 = arith.constant 0 : i32
        %dma_wait3A_223 = tpu.memref_slice %arg4[%mul3A_2, %dma_wait3A_222] : memref<32768x4096xf32, #tpu.memory_space<hbm>> -> memref<8x4096xf32, #tpu.memory_space<hbm>>
        %dma_wait3A_224 = arith.constant 0 : i32
        %dma_wait3A_225 = tpu.memref_slice %arg4[%mul3A_2, %dma_wait3A_224] : memref<32768x4096xf32, #tpu.memory_space<hbm>> -> memref<8x4096xf32, #tpu.memory_space<hbm>>
        tpu.wait_dma2 semaphore(%arg11 : memref<!tpu.dma_semaphore, #tpu.memory_space<semaphore_mem>>) src(%arg7 : memref<8x4096xf32, #tpu.memory_space<vmem>>) dst(%dma_wait3A_225 : memref<8x4096xf32, #tpu.memory_space<hbm>>)
        %dma_wait3A_226 = arith.constant 0 : i32
        %dma_wait3A_227 = tpu.memref_slice %arg4[%mul3A_2, %dma_wait3A_226] : memref<32768x4096xf32, #tpu.memory_space<hbm>> -> memref<8x4096xf32, #tpu.memory_space<hbm>>
        %dma_wait3A_228 = arith.constant 0 : i32
        %dma_wait3A_229 = tpu.memref_slice %arg4[%mul3A_2, %dma_wait3A_228] : memref<32768x4096xf32, #tpu.memory_space<hbm>> -> memref<8x4096xf32, #tpu.memory_space<hbm>>
        tpu.wait_dma2 semaphore(%arg11 : memref<!tpu.dma_semaphore, #tpu.memory_space<semaphore_mem>>) src(%arg7 : memref<8x4096xf32, #tpu.memory_space<vmem>>) dst(%dma_wait3A_229 : memref<8x4096xf32, #tpu.memory_space<hbm>>)
        %dma_wait3A_230 = arith.constant 0 : i32
        %dma_wait3A_231 = tpu.memref_slice %arg4[%mul3A_2, %dma_wait3A_230] : memref<32768x4096xf32, #tpu.memory_space<hbm>> -> memref<8x4096xf32, #tpu.memory_space<hbm>>
        %dma_wait3A_232 = arith.constant 0 : i32
        %dma_wait3A_233 = tpu.memref_slice %arg4[%mul3A_2, %dma_wait3A_232] : memref<32768x4096xf32, #tpu.memory_space<hbm>> -> memref<8x4096xf32, #tpu.memory_space<hbm>>
        tpu.wait_dma2 semaphore(%arg11 : memref<!tpu.dma_semaphore, #tpu.memory_space<semaphore_mem>>) src(%arg7 : memref<8x4096xf32, #tpu.memory_space<vmem>>) dst(%dma_wait3A_233 : memref<8x4096xf32, #tpu.memory_space<hbm>>)
        %dma_wait3A_234 = arith.constant 0 : i32
        %dma_wait3A_235 = tpu.memref_slice %arg4[%mul3A_2, %dma_wait3A_234] : memref<32768x4096xf32, #tpu.memory_space<hbm>> -> memref<8x4096xf32, #tpu.memory_space<hbm>>
        %dma_wait3A_236 = arith.constant 0 : i32
        %dma_wait3A_237 = tpu.memref_slice %arg4[%mul3A_2, %dma_wait3A_236] : memref<32768x4096xf32, #tpu.memory_space<hbm>> -> memref<8x4096xf32, #tpu.memory_space<hbm>>
        tpu.wait_dma2 semaphore(%arg11 : memref<!tpu.dma_semaphore, #tpu.memory_space<semaphore_mem>>) src(%arg7 : memref<8x4096xf32, #tpu.memory_space<vmem>>) dst(%dma_wait3A_237 : memref<8x4096xf32, #tpu.memory_space<hbm>>)
      } else {
      }
      %dma_start3A_139 = arith.constant 0 : i32
      %dma_start3A_140 = tpu.memref_slice %arg6[%dma_start3A_139] : memref<16xi32, #tpu.memory_space<vmem>> -> memref<8xi32, #tpu.memory_space<vmem>>
      %dma_start3A_141 = arith.constant 0 : i32
      %dma_start3A_142 = arith.constant 0 : i32
      %dma_start3A_143 = tpu.memref_slice %arg3[%dma_start3A_141, %dma_start3A_142] : memref<8193x4096xf32, #tpu.memory_space<hbm>> -> memref<8193x4096xf32, #tpu.memory_space<hbm>>
      tpu.enqueue_indirect_dma source(%dma_start3A_143 : memref<8193x4096xf32, #tpu.memory_space<hbm>>) target(%arg7 : memref<8x4096xf32, #tpu.memory_space<vmem>>) offsets(%dma_start3A_140 : memref<8xi32, #tpu.memory_space<vmem>>) semaphore(%arg9 : memref<!tpu.dma_semaphore, #tpu.memory_space<semaphore_mem>>)
      %dma_wait3A_144 = arith.constant 0 : i32
      %dma_wait3A_145 = tpu.memref_slice %arg6[%dma_wait3A_144] : memref<16xi32, #tpu.memory_space<vmem>> -> memref<8xi32, #tpu.memory_space<vmem>>
      %dma_wait3A_146 = arith.constant 0 : i32
      %dma_wait3A_147 = arith.constant 0 : i32
      %dma_wait3A_148 = tpu.memref_slice %arg3[%dma_wait3A_146, %dma_wait3A_147] : memref<8193x4096xf32, #tpu.memory_space<hbm>> -> memref<8193x4096xf32, #tpu.memory_space<hbm>>
      tpu.wait_indirect_dma semaphore(%arg9 : memref<!tpu.dma_semaphore, #tpu.memory_space<semaphore_mem>>) src(%dma_wait3A_148 : memref<8193x4096xf32, #tpu.memory_space<hbm>>) dst(%arg7 : memref<8x4096xf32, #tpu.memory_space<vmem>>)
      %mul3A_149 = arith.constant 16 : i32
      %mul3A_150 = arith.muli %scan3A_126, %mul3A_149 : i32
      %add3A_151 = arith.addi %mul3A_2, %mul3A_150 : i32
      %add3A_152 = arith.constant 0 : i32
      %add3A_153 = arith.addi %add3A_151, %add3A_152 : i32
      %add3A_154 = arith.constant 0 : i32
      %add3A_155 = arith.addi %add3A_154, %add3A_153 : i32
      %dma_start3A_156 = arith.constant 0 : i32
      %dma_start3A_157 = tpu.memref_slice %arg4[%add3A_155, %dma_start3A_156] : memref<32768x4096xf32, #tpu.memory_space<hbm>> -> memref<8x4096xf32, #tpu.memory_space<hbm>>
      %dma_start3A_158 = arith.constant 0 : i32
      %dma_start3A_159 = tpu.memref_slice %arg4[%add3A_155, %dma_start3A_158] : memref<32768x4096xf32, #tpu.memory_space<hbm>> -> memref<8x4096xf32, #tpu.memory_space<hbm>>
      tpu.enqueue_dma source(%arg7 : memref<8x4096xf32, #tpu.memory_space<vmem>>) target(%dma_start3A_159 : memref<8x4096xf32, #tpu.memory_space<hbm>>) target_semaphore(%arg11 : memref<!tpu.dma_semaphore, #tpu.memory_space<semaphore_mem>>)
      %add3A_160 = arith.constant 8192 : i32
      %add3A_161 = arith.addi %add3A_160, %add3A_153 : i32
      %dma_start3A_162 = arith.constant 0 : i32
      %dma_start3A_163 = tpu.memref_slice %arg4[%add3A_161, %dma_start3A_162] : memref<32768x4096xf32, #tpu.memory_space<hbm>> -> memref<8x4096xf32, #tpu.memory_space<hbm>>
      %dma_start3A_164 = arith.constant 0 : i32
      %dma_start3A_165 = tpu.memref_slice %arg4[%add3A_161, %dma_start3A_164] : memref<32768x4096xf32, #tpu.memory_space<hbm>> -> memref<8x4096xf32, #tpu.memory_space<hbm>>
      tpu.enqueue_dma source(%arg7 : memref<8x4096xf32, #tpu.memory_space<vmem>>) target(%dma_start3A_165 : memref<8x4096xf32, #tpu.memory_space<hbm>>) target_semaphore(%arg11 : memref<!tpu.dma_semaphore, #tpu.memory_space<semaphore_mem>>)
      %add3A_166 = arith.constant 16384 : i32
      %add3A_167 = arith.addi %add3A_166, %add3A_153 : i32
      %dma_start3A_168 = arith.constant 0 : i32
      %dma_start3A_169 = tpu.memref_slice %arg4[%add3A_167, %dma_start3A_168] : memref<32768x4096xf32, #tpu.memory_space<hbm>> -> memref<8x4096xf32, #tpu.memory_space<hbm>>
      %dma_start3A_170 = arith.constant 0 : i32
      %dma_start3A_171 = tpu.memref_slice %arg4[%add3A_167, %dma_start3A_170] : memref<32768x4096xf32, #tpu.memory_space<hbm>> -> memref<8x4096xf32, #tpu.memory_space<hbm>>
      tpu.enqueue_dma source(%arg7 : memref<8x4096xf32, #tpu.memory_space<vmem>>) target(%dma_start3A_171 : memref<8x4096xf32, #tpu.memory_space<hbm>>) target_semaphore(%arg11 : memref<!tpu.dma_semaphore, #tpu.memory_space<semaphore_mem>>)
      %add3A_172 = arith.constant 24576 : i32
      %add3A_173 = arith.addi %add3A_172, %add3A_153 : i32
      %dma_start3A_174 = arith.constant 0 : i32
      %dma_start3A_175 = tpu.memref_slice %arg4[%add3A_173, %dma_start3A_174] : memref<32768x4096xf32, #tpu.memory_space<hbm>> -> memref<8x4096xf32, #tpu.memory_space<hbm>>
      %dma_start3A_176 = arith.constant 0 : i32
      %dma_start3A_177 = tpu.memref_slice %arg4[%add3A_173, %dma_start3A_176] : memref<32768x4096xf32, #tpu.memory_space<hbm>> -> memref<8x4096xf32, #tpu.memory_space<hbm>>
      tpu.enqueue_dma source(%arg7 : memref<8x4096xf32, #tpu.memory_space<vmem>>) target(%dma_start3A_177 : memref<8x4096xf32, #tpu.memory_space<hbm>>) target_semaphore(%arg11 : memref<!tpu.dma_semaphore, #tpu.memory_space<semaphore_mem>>)
      %gt3A_178 = arith.constant 0 : i32
      %gt3A_179 = arith.cmpi sgt, %scan3A_126, %gt3A_178 : i32
      %convert_element_type3A_180 = arith.extui %gt3A_179 : i1 to i32
      %cond3A_181 = arith.constant 0 : i32
      %cond3A_182 = arith.cmpi ne, %convert_element_type3A_180, %cond3A_181 : i32
      scf.if %cond3A_182 {
        %dma_wait3A_222 = arith.constant 0 : i32
        %dma_wait3A_223 = tpu.memref_slice %arg4[%mul3A_2, %dma_wait3A_222] : memref<32768x4096xf32, #tpu.memory_space<hbm>> -> memref<8x4096xf32, #tpu.memory_space<hbm>>
        %dma_wait3A_224 = arith.constant 0 : i32
        %dma_wait3A_225 = tpu.memref_slice %arg4[%mul3A_2, %dma_wait3A_224] : memref<32768x4096xf32, #tpu.memory_space<hbm>> -> memref<8x4096xf32, #tpu.memory_space<hbm>>
        tpu.wait_dma2 semaphore(%arg12 : memref<!tpu.dma_semaphore, #tpu.memory_space<semaphore_mem>>) src(%arg8 : memref<8x4096xf32, #tpu.memory_space<vmem>>) dst(%dma_wait3A_225 : memref<8x4096xf32, #tpu.memory_space<hbm>>)
        %dma_wait3A_226 = arith.constant 0 : i32
        %dma_wait3A_227 = tpu.memref_slice %arg4[%mul3A_2, %dma_wait3A_226] : memref<32768x4096xf32, #tpu.memory_space<hbm>> -> memref<8x4096xf32, #tpu.memory_space<hbm>>
        %dma_wait3A_228 = arith.constant 0 : i32
        %dma_wait3A_229 = tpu.memref_slice %arg4[%mul3A_2, %dma_wait3A_228] : memref<32768x4096xf32, #tpu.memory_space<hbm>> -> memref<8x4096xf32, #tpu.memory_space<hbm>>
        tpu.wait_dma2 semaphore(%arg12 : memref<!tpu.dma_semaphore, #tpu.memory_space<semaphore_mem>>) src(%arg8 : memref<8x4096xf32, #tpu.memory_space<vmem>>) dst(%dma_wait3A_229 : memref<8x4096xf32, #tpu.memory_space<hbm>>)
        %dma_wait3A_230 = arith.constant 0 : i32
        %dma_wait3A_231 = tpu.memref_slice %arg4[%mul3A_2, %dma_wait3A_230] : memref<32768x4096xf32, #tpu.memory_space<hbm>> -> memref<8x4096xf32, #tpu.memory_space<hbm>>
        %dma_wait3A_232 = arith.constant 0 : i32
        %dma_wait3A_233 = tpu.memref_slice %arg4[%mul3A_2, %dma_wait3A_232] : memref<32768x4096xf32, #tpu.memory_space<hbm>> -> memref<8x4096xf32, #tpu.memory_space<hbm>>
        tpu.wait_dma2 semaphore(%arg12 : memref<!tpu.dma_semaphore, #tpu.memory_space<semaphore_mem>>) src(%arg8 : memref<8x4096xf32, #tpu.memory_space<vmem>>) dst(%dma_wait3A_233 : memref<8x4096xf32, #tpu.memory_space<hbm>>)
        %dma_wait3A_234 = arith.constant 0 : i32
        %dma_wait3A_235 = tpu.memref_slice %arg4[%mul3A_2, %dma_wait3A_234] : memref<32768x4096xf32, #tpu.memory_space<hbm>> -> memref<8x4096xf32, #tpu.memory_space<hbm>>
        %dma_wait3A_236 = arith.constant 0 : i32
        %dma_wait3A_237 = tpu.memref_slice %arg4[%mul3A_2, %dma_wait3A_236] : memref<32768x4096xf32, #tpu.memory_space<hbm>> -> memref<8x4096xf32, #tpu.memory_space<hbm>>
        tpu.wait_dma2 semaphore(%arg12 : memref<!tpu.dma_semaphore, #tpu.memory_space<semaphore_mem>>) src(%arg8 : memref<8x4096xf32, #tpu.memory_space<vmem>>) dst(%dma_wait3A_237 : memref<8x4096xf32, #tpu.memory_space<hbm>>)
      } else {
      }
      %dma_start3A_183 = arith.constant 8 : i32
      %dma_start3A_184 = tpu.memref_slice %arg6[%dma_start3A_183] : memref<16xi32, #tpu.memory_space<vmem>> -> memref<8xi32, #tpu.memory_space<vmem>>
      %dma_start3A_185 = arith.constant 0 : i32
      %dma_start3A_186 = arith.constant 0 : i32
      %dma_start3A_187 = tpu.memref_slice %arg3[%dma_start3A_185, %dma_start3A_186] : memref<8193x4096xf32, #tpu.memory_space<hbm>> -> memref<8193x4096xf32, #tpu.memory_space<hbm>>
      tpu.enqueue_indirect_dma source(%dma_start3A_187 : memref<8193x4096xf32, #tpu.memory_space<hbm>>) target(%arg8 : memref<8x4096xf32, #tpu.memory_space<vmem>>) offsets(%dma_start3A_184 : memref<8xi32, #tpu.memory_space<vmem>>) semaphore(%arg10 : memref<!tpu.dma_semaphore, #tpu.memory_space<semaphore_mem>>)
      %dma_wait3A_188 = arith.constant 8 : i32
      %dma_wait3A_189 = tpu.memref_slice %arg6[%dma_wait3A_188] : memref<16xi32, #tpu.memory_space<vmem>> -> memref<8xi32, #tpu.memory_space<vmem>>
      %dma_wait3A_190 = arith.constant 0 : i32
      %dma_wait3A_191 = arith.constant 0 : i32
      %dma_wait3A_192 = tpu.memref_slice %arg3[%dma_wait3A_190, %dma_wait3A_191] : memref<8193x4096xf32, #tpu.memory_space<hbm>> -> memref<8193x4096xf32, #tpu.memory_space<hbm>>
      tpu.wait_indirect_dma semaphore(%arg10 : memref<!tpu.dma_semaphore, #tpu.memory_space<semaphore_mem>>) src(%dma_wait3A_192 : memref<8193x4096xf32, #tpu.memory_space<hbm>>) dst(%arg8 : memref<8x4096xf32, #tpu.memory_space<vmem>>)
      %mul3A_193 = arith.constant 16 : i32
      %mul3A_194 = arith.muli %scan3A_126, %mul3A_193 : i32
      %add3A_195 = arith.addi %mul3A_2, %mul3A_194 : i32
      %add3A_196 = arith.constant 8 : i32
      %add3A_197 = arith.addi %add3A_195, %add3A_196 : i32
      %add3A_198 = arith.constant 0 : i32
      %add3A_199 = arith.addi %add3A_198, %add3A_197 : i32
      %dma_start3A_200 = arith.constant 0 : i32
      %dma_start3A_201 = tpu.memref_slice %arg4[%add3A_199, %dma_start3A_200] : memref<32768x4096xf32, #tpu.memory_space<hbm>> -> memref<8x4096xf32, #tpu.memory_space<hbm>>
      %dma_start3A_202 = arith.constant 0 : i32
      %dma_start3A_203 = tpu.memref_slice %arg4[%add3A_199, %dma_start3A_202] : memref<32768x4096xf32, #tpu.memory_space<hbm>> -> memref<8x4096xf32, #tpu.memory_space<hbm>>
      tpu.enqueue_dma source(%arg8 : memref<8x4096xf32, #tpu.memory_space<vmem>>) target(%dma_start3A_203 : memref<8x4096xf32, #tpu.memory_space<hbm>>) target_semaphore(%arg12 : memref<!tpu.dma_semaphore, #tpu.memory_space<semaphore_mem>>)
      %add3A_204 = arith.constant 8192 : i32
      %add3A_205 = arith.addi %add3A_204, %add3A_197 : i32
      %dma_start3A_206 = arith.constant 0 : i32
      %dma_start3A_207 = tpu.memref_slice %arg4[%add3A_205, %dma_start3A_206] : memref<32768x4096xf32, #tpu.memory_space<hbm>> -> memref<8x4096xf32, #tpu.memory_space<hbm>>
      %dma_start3A_208 = arith.constant 0 : i32
      %dma_start3A_209 = tpu.memref_slice %arg4[%add3A_205, %dma_start3A_208] : memref<32768x4096xf32, #tpu.memory_space<hbm>> -> memref<8x4096xf32, #tpu.memory_space<hbm>>
      tpu.enqueue_dma source(%arg8 : memref<8x4096xf32, #tpu.memory_space<vmem>>) target(%dma_start3A_209 : memref<8x4096xf32, #tpu.memory_space<hbm>>) target_semaphore(%arg12 : memref<!tpu.dma_semaphore, #tpu.memory_space<semaphore_mem>>)
      %add3A_210 = arith.constant 16384 : i32
      %add3A_211 = arith.addi %add3A_210, %add3A_197 : i32
      %dma_start3A_212 = arith.constant 0 : i32
      %dma_start3A_213 = tpu.memref_slice %arg4[%add3A_211, %dma_start3A_212] : memref<32768x4096xf32, #tpu.memory_space<hbm>> -> memref<8x4096xf32, #tpu.memory_space<hbm>>
      %dma_start3A_214 = arith.constant 0 : i32
      %dma_start3A_215 = tpu.memref_slice %arg4[%add3A_211, %dma_start3A_214] : memref<32768x4096xf32, #tpu.memory_space<hbm>> -> memref<8x4096xf32, #tpu.memory_space<hbm>>
      tpu.enqueue_dma source(%arg8 : memref<8x4096xf32, #tpu.memory_space<vmem>>) target(%dma_start3A_215 : memref<8x4096xf32, #tpu.memory_space<hbm>>) target_semaphore(%arg12 : memref<!tpu.dma_semaphore, #tpu.memory_space<semaphore_mem>>)
      %add3A_216 = arith.constant 24576 : i32
      %add3A_217 = arith.addi %add3A_216, %add3A_197 : i32
      %dma_start3A_218 = arith.constant 0 : i32
      %dma_start3A_219 = tpu.memref_slice %arg4[%add3A_217, %dma_start3A_218] : memref<32768x4096xf32, #tpu.memory_space<hbm>> -> memref<8x4096xf32, #tpu.memory_space<hbm>>
      %dma_start3A_220 = arith.constant 0 : i32
      %dma_start3A_221 = tpu.memref_slice %arg4[%add3A_217, %dma_start3A_220] : memref<32768x4096xf32, #tpu.memory_space<hbm>> -> memref<8x4096xf32, #tpu.memory_space<hbm>>
      tpu.enqueue_dma source(%arg8 : memref<8x4096xf32, #tpu.memory_space<vmem>>) target(%dma_start3A_221 : memref<8x4096xf32, #tpu.memory_space<hbm>>) target_semaphore(%arg12 : memref<!tpu.dma_semaphore, #tpu.memory_space<semaphore_mem>>)
    }
    %scan3A_38 = arith.constant 16 : i32
    %dma_wait3A = arith.constant 0 : i32
    %dma_wait3A_39 = tpu.memref_slice %arg4[%mul3A_2, %dma_wait3A] : memref<32768x4096xf32, #tpu.memory_space<hbm>> -> memref<8x4096xf32, #tpu.memory_space<hbm>>
    %dma_wait3A_40 = arith.constant 0 : i32
    %dma_wait3A_41 = tpu.memref_slice %arg4[%mul3A_2, %dma_wait3A_40] : memref<32768x4096xf32, #tpu.memory_space<hbm>> -> memref<8x4096xf32, #tpu.memory_space<hbm>>
    tpu.wait_dma2 semaphore(%arg11 : memref<!tpu.dma_semaphore, #tpu.memory_space<semaphore_mem>>) src(%arg7 : memref<8x4096xf32, #tpu.memory_space<vmem>>) dst(%dma_wait3A_41 : memref<8x4096xf32, #tpu.memory_space<hbm>>)
    %dma_wait3A_42 = arith.constant 0 : i32
    %dma_wait3A_43 = tpu.memref_slice %arg4[%mul3A_2, %dma_wait3A_42] : memref<32768x4096xf32, #tpu.memory_space<hbm>> -> memref<8x4096xf32, #tpu.memory_space<hbm>>
    %dma_wait3A_44 = arith.constant 0 : i32
    %dma_wait3A_45 = tpu.memref_slice %arg4[%mul3A_2, %dma_wait3A_44] : memref<32768x4096xf32, #tpu.memory_space<hbm>> -> memref<8x4096xf32, #tpu.memory_space<hbm>>
    tpu.wait_dma2 semaphore(%arg11 : memref<!tpu.dma_semaphore, #tpu.memory_space<semaphore_mem>>) src(%arg7 : memref<8x4096xf32, #tpu.memory_space<vmem>>) dst(%dma_wait3A_45 : memref<8x4096xf32, #tpu.memory_space<hbm>>)
    %dma_wait3A_46 = arith.constant 0 : i32
    %dma_wait3A_47 = tpu.memref_slice %arg4[%mul3A_2, %dma_wait3A_46] : memref<32768x4096xf32, #tpu.memory_space<hbm>> -> memref<8x4096xf32, #tpu.memory_space<hbm>>
    %dma_wait3A_48 = arith.constant 0 : i32
    %dma_wait3A_49 = tpu.memref_slice %arg4[%mul3A_2, %dma_wait3A_48] : memref<32768x4096xf32, #tpu.memory_space<hbm>> -> memref<8x4096xf32, #tpu.memory_space<hbm>>
    tpu.wait_dma2 semaphore(%arg11 : memref<!tpu.dma_semaphore, #tpu.memory_space<semaphore_mem>>) src(%arg7 : memref<8x4096xf32, #tpu.memory_space<vmem>>) dst(%dma_wait3A_49 : memref<8x4096xf32, #tpu.memory_space<hbm>>)
    %dma_wait3A_50 = arith.constant 0 : i32
    %dma_wait3A_51 = tpu.memref_slice %arg4[%mul3A_2, %dma_wait3A_50] : memref<32768x4096xf32, #tpu.memory_space<hbm>> -> memref<8x4096xf32, #tpu.memory_space<hbm>>
    %dma_wait3A_52 = arith.constant 0 : i32
    %dma_wait3A_53 = tpu.memref_slice %arg4[%mul3A_2, %dma_wait3A_52] : memref<32768x4096xf32, #tpu.memory_space<hbm>> -> memref<8x4096xf32, #tpu.memory_space<hbm>>
    tpu.wait_dma2 semaphore(%arg11 : memref<!tpu.dma_semaphore, #tpu.memory_space<semaphore_mem>>) src(%arg7 : memref<8x4096xf32, #tpu.memory_space<vmem>>) dst(%dma_wait3A_53 : memref<8x4096xf32, #tpu.memory_space<hbm>>)
    %dma_wait3A_54 = arith.constant 0 : i32
    %dma_wait3A_55 = tpu.memref_slice %arg4[%mul3A_2, %dma_wait3A_54] : memref<32768x4096xf32, #tpu.memory_space<hbm>> -> memref<8x4096xf32, #tpu.memory_space<hbm>>
    %dma_wait3A_56 = arith.constant 0 : i32
    %dma_wait3A_57 = tpu.memref_slice %arg4[%mul3A_2, %dma_wait3A_56] : memref<32768x4096xf32, #tpu.memory_space<hbm>> -> memref<8x4096xf32, #tpu.memory_space<hbm>>
    tpu.wait_dma2 semaphore(%arg12 : memref<!tpu.dma_semaphore, #tpu.memory_space<semaphore_mem>>) src(%arg8 : memref<8x4096xf32, #tpu.memory_space<vmem>>) dst(%dma_wait3A_57 : memref<8x4096xf32, #tpu.memory_space<hbm>>)
    %dma_wait3A_58 = arith.constant 0 : i32
    %dma_wait3A_59 = tpu.memref_slice %arg4[%mul3A_2, %dma_wait3A_58] : memref<32768x4096xf32, #tpu.memory_space<hbm>> -> memref<8x4096xf32, #tpu.memory_space<hbm>>
    %dma_wait3A_60 = arith.constant 0 : i32
    %dma_wait3A_61 = tpu.memref_slice %arg4[%mul3A_2, %dma_wait3A_60] : memref<32768x4096xf32, #tpu.memory_space<hbm>> -> memref<8x4096xf32, #tpu.memory_space<hbm>>
    tpu.wait_dma2 semaphore(%arg12 : memref<!tpu.dma_semaphore, #tpu.memory_space<semaphore_mem>>) src(%arg8 : memref<8x4096xf32, #tpu.memory_space<vmem>>) dst(%dma_wait3A_61 : memref<8x4096xf32, #tpu.memory_space<hbm>>)
    %dma_wait3A_62 = arith.constant 0 : i32
    %dma_wait3A_63 = tpu.memref_slice %arg4[%mul3A_2, %dma_wait3A_62] : memref<32768x4096xf32, #tpu.memory_space<hbm>> -> memref<8x4096xf32, #tpu.memory_space<hbm>>
    %dma_wait3A_64 = arith.constant 0 : i32
    %dma_wait3A_65 = tpu.memref_slice %arg4[%mul3A_2, %dma_wait3A_64] : memref<32768x4096xf32, #tpu.memory_space<hbm>> -> memref<8x4096xf32, #tpu.memory_space<hbm>>
    tpu.wait_dma2 semaphore(%arg12 : memref<!tpu.dma_semaphore, #tpu.memory_space<semaphore_mem>>) src(%arg8 : memref<8x4096xf32, #tpu.memory_space<vmem>>) dst(%dma_wait3A_65 : memref<8x4096xf32, #tpu.memory_space<hbm>>)
    %dma_wait3A_66 = arith.constant 0 : i32
    %dma_wait3A_67 = tpu.memref_slice %arg4[%mul3A_2, %dma_wait3A_66] : memref<32768x4096xf32, #tpu.memory_space<hbm>> -> memref<8x4096xf32, #tpu.memory_space<hbm>>
    %dma_wait3A_68 = arith.constant 0 : i32
    %dma_wait3A_69 = tpu.memref_slice %arg4[%mul3A_2, %dma_wait3A_68] : memref<32768x4096xf32, #tpu.memory_space<hbm>> -> memref<8x4096xf32, #tpu.memory_space<hbm>>
    tpu.wait_dma2 semaphore(%arg12 : memref<!tpu.dma_semaphore, #tpu.memory_space<semaphore_mem>>) src(%arg8 : memref<8x4096xf32, #tpu.memory_space<vmem>>) dst(%dma_wait3A_69 : memref<8x4096xf32, #tpu.memory_space<hbm>>)
    %add3A_70 = arith.constant 0 : i32
    %add3A_71 = arith.addi %add3A_70, %mul3A_2 : i32
    %dma_wait3A_72 = arith.constant 0 : i32
    %dma_wait3A_73 = tpu.memref_slice %arg5[%dma_wait3A_72] : memref<1024xi32, #tpu.memory_space<vmem>> -> memref<256xi32, #tpu.memory_space<vmem>>
    %dma_wait3A_74 = tpu.memref_slice %arg2[%add3A_71] : memref<32768xi32, #tpu.memory_space<hbm>> -> memref<256xi32, #tpu.memory_space<hbm>>
    %dma_wait3A_75 = arith.constant 0 : i32
    %dma_wait3A_76 = tpu.memref_slice %arg5[%dma_wait3A_75] : memref<1024xi32, #tpu.memory_space<vmem>> -> memref<256xi32, #tpu.memory_space<vmem>>
    %dma_wait3A_77 = tpu.memref_slice %arg2[%add3A_71] : memref<32768xi32, #tpu.memory_space<hbm>> -> memref<256xi32, #tpu.memory_space<hbm>>
    tpu.wait_dma2 semaphore(%arg13 : memref<!tpu.dma_semaphore, #tpu.memory_space<semaphore_mem>>) src(%dma_wait3A_77 : memref<256xi32, #tpu.memory_space<hbm>>) dst(%dma_wait3A_76 : memref<256xi32, #tpu.memory_space<vmem>>)
    %add3A_78 = arith.constant 8192 : i32
    %add3A_79 = arith.addi %add3A_78, %mul3A_2 : i32
    %dma_wait3A_80 = arith.constant 256 : i32
    %dma_wait3A_81 = tpu.memref_slice %arg5[%dma_wait3A_80] : memref<1024xi32, #tpu.memory_space<vmem>> -> memref<256xi32, #tpu.memory_space<vmem>>
    %dma_wait3A_82 = tpu.memref_slice %arg2[%add3A_79] : memref<32768xi32, #tpu.memory_space<hbm>> -> memref<256xi32, #tpu.memory_space<hbm>>
    %dma_wait3A_83 = arith.constant 256 : i32
    %dma_wait3A_84 = tpu.memref_slice %arg5[%dma_wait3A_83] : memref<1024xi32, #tpu.memory_space<vmem>> -> memref<256xi32, #tpu.memory_space<vmem>>
    %dma_wait3A_85 = tpu.memref_slice %arg2[%add3A_79] : memref<32768xi32, #tpu.memory_space<hbm>> -> memref<256xi32, #tpu.memory_space<hbm>>
    tpu.wait_dma2 semaphore(%arg13 : memref<!tpu.dma_semaphore, #tpu.memory_space<semaphore_mem>>) src(%dma_wait3A_85 : memref<256xi32, #tpu.memory_space<hbm>>) dst(%dma_wait3A_84 : memref<256xi32, #tpu.memory_space<vmem>>)
    %add3A_86 = arith.constant 16384 : i32
    %add3A_87 = arith.addi %add3A_86, %mul3A_2 : i32
    %dma_wait3A_88 = arith.constant 512 : i32
    %dma_wait3A_89 = tpu.memref_slice %arg5[%dma_wait3A_88] : memref<1024xi32, #tpu.memory_space<vmem>> -> memref<256xi32, #tpu.memory_space<vmem>>
    %dma_wait3A_90 = tpu.memref_slice %arg2[%add3A_87] : memref<32768xi32, #tpu.memory_space<hbm>> -> memref<256xi32, #tpu.memory_space<hbm>>
    %dma_wait3A_91 = arith.constant 512 : i32
    %dma_wait3A_92 = tpu.memref_slice %arg5[%dma_wait3A_91] : memref<1024xi32, #tpu.memory_space<vmem>> -> memref<256xi32, #tpu.memory_space<vmem>>
    %dma_wait3A_93 = tpu.memref_slice %arg2[%add3A_87] : memref<32768xi32, #tpu.memory_space<hbm>> -> memref<256xi32, #tpu.memory_space<hbm>>
    tpu.wait_dma2 semaphore(%arg13 : memref<!tpu.dma_semaphore, #tpu.memory_space<semaphore_mem>>) src(%dma_wait3A_93 : memref<256xi32, #tpu.memory_space<hbm>>) dst(%dma_wait3A_92 : memref<256xi32, #tpu.memory_space<vmem>>)
    %add3A_94 = arith.constant 24576 : i32
    %add3A_95 = arith.addi %add3A_94, %mul3A_2 : i32
    %dma_wait3A_96 = arith.constant 768 : i32
    %dma_wait3A_97 = tpu.memref_slice %arg5[%dma_wait3A_96] : memref<1024xi32, #tpu.memory_space<vmem>> -> memref<256xi32, #tpu.memory_space<vmem>>
    %dma_wait3A_98 = tpu.memref_slice %arg2[%add3A_95] : memref<32768xi32, #tpu.memory_space<hbm>> -> memref<256xi32, #tpu.memory_space<hbm>>
    %dma_wait3A_99 = arith.constant 768 : i32
    %dma_wait3A_100 = tpu.memref_slice %arg5[%dma_wait3A_99] : memref<1024xi32, #tpu.memory_space<vmem>> -> memref<256xi32, #tpu.memory_space<vmem>>
    %dma_wait3A_101 = tpu.memref_slice %arg2[%add3A_95] : memref<32768xi32, #tpu.memory_space<hbm>> -> memref<256xi32, #tpu.memory_space<hbm>>
    tpu.wait_dma2 semaphore(%arg13 : memref<!tpu.dma_semaphore, #tpu.memory_space<semaphore_mem>>) src(%dma_wait3A_101 : memref<256xi32, #tpu.memory_space<hbm>>) dst(%dma_wait3A_100 : memref<256xi32, #tpu.memory_space<vmem>>)
    %scan3A_102 = arith.constant 0 : i32
    %scan3A_103 = arith.constant 0 : i32
    %scan3A_104 = arith.constant 16 : i32
    %scan3A_105 = arith.addi %scan3A_103, %scan3A_104 : i32
    %scan3A_106 = arith.constant 1 : i32
    scf.for %scan3A_126 = %scan3A_103 to %scan3A_105 step %scan3A_106  : i32 {
      %mul3A_127 = arith.constant 16 : i32
      %mul3A_128 = arith.muli %scan3A_126, %mul3A_127 : i32
      %add3A_129 = arith.constant 0 : i32
      %add3A_130 = arith.addi %add3A_129, %mul3A_128 : i32
      %get3A = arith.index_cast %add3A_130 : i32 to index
      %get3A_131 = tpu.vector_load %arg5[%get3A] {strides = array<i32>} : memref<1024xi32, #tpu.memory_space<vmem>>, vector<16xi32>,
      %get3A_132 = vector.shape_cast %get3A_131 : vector<16xi32> to vector<16xi32>
      %slice3A = vector.extract_strided_slice %get3A_132 {offsets = [0], sizes = [1], strides = [1]} : vector<16xi32> to vector<1xi32>
      %squeeze3A = vector.extract %slice3A[0] : i32 from vector<1xi32>
      %eq3A = arith.constant 0 : i32
      %eq3A_133 = arith.cmpi eq, %squeeze3A, %eq3A : i32
      %slice3A_134 = vector.extract_strided_slice %get3A_132 {offsets = [1], sizes = [1], strides = [1]} : vector<16xi32> to vector<1xi32>
      %squeeze3A_135 = vector.extract %slice3A_134[0] : i32 from vector<1xi32>
      %eq3A_136 = arith.constant 0 : i32
      %eq3A_137 = arith.cmpi eq, %squeeze3A_135, %eq3A_136 : i32
      %or3A = arith.ori %eq3A_133, %eq3A_137 : i1
      %slice3A_138 = vector.extract_strided_slice %get3A_132 {offsets = [2], sizes = [1], strides = [1]} : vector<16xi32> to vector<1xi32>
      %squeeze3A_139 = vector.extract %slice3A_138[0] : i32 from vector<1xi32>
      %eq3A_140 = arith.constant 0 : i32
      %eq3A_141 = arith.cmpi eq, %squeeze3A_139, %eq3A_140 : i32
      %or3A_142 = arith.ori %or3A, %eq3A_141 : i1
      %slice3A_143 = vector.extract_strided_slice %get3A_132 {offsets = [3], sizes = [1], strides = [1]} : vector<16xi32> to vector<1xi32>
      %squeeze3A_144 = vector.extract %slice3A_143[0] : i32 from vector<1xi32>
      %eq3A_145 = arith.constant 0 : i32
      %eq3A_146 = arith.cmpi eq, %squeeze3A_144, %eq3A_145 : i32
      %or3A_147 = arith.ori %or3A_142, %eq3A_146 : i1
      %slice3A_148 = vector.extract_strided_slice %get3A_132 {offsets = [4], sizes = [1], strides = [1]} : vector<16xi32> to vector<1xi32>
      %squeeze3A_149 = vector.extract %slice3A_148[0] : i32 from vector<1xi32>
      %eq3A_150 = arith.constant 0 : i32
      %eq3A_151 = arith.cmpi eq, %squeeze3A_149, %eq3A_150 : i32
      %or3A_152 = arith.ori %or3A_147, %eq3A_151 : i1
      %slice3A_153 = vector.extract_strided_slice %get3A_132 {offsets = [5], sizes = [1], strides = [1]} : vector<16xi32> to vector<1xi32>
      %squeeze3A_154 = vector.extract %slice3A_153[0] : i32 from vector<1xi32>
      %eq3A_155 = arith.constant 0 : i32
      %eq3A_156 = arith.cmpi eq, %squeeze3A_154, %eq3A_155 : i32
      %or3A_157 = arith.ori %or3A_152, %eq3A_156 : i1
      %slice3A_158 = vector.extract_strided_slice %get3A_132 {offsets = [6], sizes = [1], strides = [1]} : vector<16xi32> to vector<1xi32>
      %squeeze3A_159 = vector.extract %slice3A_158[0] : i32 from vector<1xi32>
      %eq3A_160 = arith.constant 0 : i32
      %eq3A_161 = arith.cmpi eq, %squeeze3A_159, %eq3A_160 : i32
      %or3A_162 = arith.ori %or3A_157, %eq3A_161 : i1
      %slice3A_163 = vector.extract_strided_slice %get3A_132 {offsets = [7], sizes = [1], strides = [1]} : vector<16xi32> to vector<1xi32>
      %squeeze3A_164 = vector.extract %slice3A_163[0] : i32 from vector<1xi32>
      %eq3A_165 = arith.constant 0 : i32
      %eq3A_166 = arith.cmpi eq, %squeeze3A_164, %eq3A_165 : i32
      %or3A_167 = arith.ori %or3A_162, %eq3A_166 : i1
      %slice3A_168 = vector.extract_strided_slice %get3A_132 {offsets = [8], sizes = [1], strides = [1]} : vector<16xi32> to vector<1xi32>
      %squeeze3A_169 = vector.extract %slice3A_168[0] : i32 from vector<1xi32>
      %eq3A_170 = arith.constant 0 : i32
      %eq3A_171 = arith.cmpi eq, %squeeze3A_169, %eq3A_170 : i32
      %or3A_172 = arith.ori %or3A_167, %eq3A_171 : i1
      %slice3A_173 = vector.extract_strided_slice %get3A_132 {offsets = [9], sizes = [1], strides = [1]} : vector<16xi32> to vector<1xi32>
      %squeeze3A_174 = vector.extract %slice3A_173[0] : i32 from vector<1xi32>
      %eq3A_175 = arith.constant 0 : i32
      %eq3A_176 = arith.cmpi eq, %squeeze3A_174, %eq3A_175 : i32
      %or3A_177 = arith.ori %or3A_172, %eq3A_176 : i1
      %slice3A_178 = vector.extract_strided_slice %get3A_132 {offsets = [10], sizes = [1], strides = [1]} : vector<16xi32> to vector<1xi32>
      %squeeze3A_179 = vector.extract %slice3A_178[0] : i32 from vector<1xi32>
      %eq3A_180 = arith.constant 0 : i32
      %eq3A_181 = arith.cmpi eq, %squeeze3A_179, %eq3A_180 : i32
      %or3A_182 = arith.ori %or3A_177, %eq3A_181 : i1
      %slice3A_183 = vector.extract_strided_slice %get3A_132 {offsets = [11], sizes = [1], strides = [1]} : vector<16xi32> to vector<1xi32>
      %squeeze3A_184 = vector.extract %slice3A_183[0] : i32 from vector<1xi32>
      %eq3A_185 = arith.constant 0 : i32
      %eq3A_186 = arith.cmpi eq, %squeeze3A_184, %eq3A_185 : i32
      %or3A_187 = arith.ori %or3A_182, %eq3A_186 : i1
      %slice3A_188 = vector.extract_strided_slice %get3A_132 {offsets = [12], sizes = [1], strides = [1]} : vector<16xi32> to vector<1xi32>
      %squeeze3A_189 = vector.extract %slice3A_188[0] : i32 from vector<1xi32>
      %eq3A_190 = arith.constant 0 : i32
      %eq3A_191 = arith.cmpi eq, %squeeze3A_189, %eq3A_190 : i32
      %or3A_192 = arith.ori %or3A_187, %eq3A_191 : i1
      %slice3A_193 = vector.extract_strided_slice %get3A_132 {offsets = [13], sizes = [1], strides = [1]} : vector<16xi32> to vector<1xi32>
      %squeeze3A_194 = vector.extract %slice3A_193[0] : i32 from vector<1xi32>
      %eq3A_195 = arith.constant 0 : i32
      %eq3A_196 = arith.cmpi eq, %squeeze3A_194, %eq3A_195 : i32
      %or3A_197 = arith.ori %or3A_192, %eq3A_196 : i1
      %slice3A_198 = vector.extract_strided_slice %get3A_132 {offsets = [14], sizes = [1], strides = [1]} : vector<16xi32> to vector<1xi32>
      %squeeze3A_199 = vector.extract %slice3A_198[0] : i32 from vector<1xi32>
      %eq3A_200 = arith.constant 0 : i32
      %eq3A_201 = arith.cmpi eq, %squeeze3A_199, %eq3A_200 : i32
      %or3A_202 = arith.ori %or3A_197, %eq3A_201 : i1
      %slice3A_203 = vector.extract_strided_slice %get3A_132 {offsets = [15], sizes = [1], strides = [1]} : vector<16xi32> to vector<1xi32>
      %squeeze3A_204 = vector.extract %slice3A_203[0] : i32 from vector<1xi32>
      %eq3A_205 = arith.constant 0 : i32
      %eq3A_206 = arith.cmpi eq, %squeeze3A_204, %eq3A_205 : i32
      %or3A_207 = arith.ori %or3A_202, %eq3A_206 : i1
      %convert_element_type3A = arith.extui %or3A_207 : i1 to i32
      %cond3A = arith.constant 0 : i32
      %cond3A_208 = arith.cmpi ne, %convert_element_type3A, %cond3A : i32
      scf.if %cond3A_208 {
        %ne3A = arith.constant 0 : i32
        %ne3A_209 = vector.broadcast %ne3A : i32 to vector<16xi32>
        %ne3A_210 = arith.cmpi ne, %get3A_132, %ne3A_209 : vector<16xi32>
        %mul3A_211 = arith.constant 16 : i32
        %mul3A_212 = arith.muli %scan3A_126, %mul3A_211 : i32
        %add3A_213 = arith.addi %mul3A_2, %mul3A_212 : i32
        %add3A_214 = vector.broadcast %add3A_213 : i32 to vector<16xi32>
        %add3A_215 = arith.addi %add3A_214, %iota3A : vector<16xi32>
        %add3A_216 = arith.constant 1 : i32
        %add3A_217 = vector.broadcast %add3A_216 : i32 to vector<16xi32>
        %add3A_218 = arith.addi %add3A_215, %add3A_217 : vector<16xi32>
        %jit3A = arith.constant 0 : i32
        %broadcast_in_dim3A = vector.broadcast %jit3A : i32 to vector<16xi32>
        %select_n3A = arith.select %ne3A_210, %add3A_218, %broadcast_in_dim3A : vector<16xi1>, vector<16xi32>
        %swap3A = arith.constant 0 : index
        %swap3A_219 = tpu.vector_load %arg6[%swap3A] {strides = array<i32>} : memref<16xi32, #tpu.memory_space<vmem>>, vector<16xi32>,
        %swap3A_220 = vector.shape_cast %swap3A_219 : vector<16xi32> to vector<16xi32>
        %swap3A_221 = vector.shape_cast %select_n3A : vector<16xi32> to vector<16xi32>
        tpu.vector_store %arg6[%swap3A], %swap3A_221 {strides = array<i32>} : memref<16xi32, #tpu.memory_space<vmem>>, vector<16xi32>,
        %dma_start3A_222 = arith.constant 0 : i32
        %dma_start3A_223 = tpu.memref_slice %arg6[%dma_start3A_222] : memref<16xi32, #tpu.memory_space<vmem>> -> memref<8xi32, #tpu.memory_space<vmem>>
        %dma_start3A_224 = arith.constant 0 : i32
        %dma_start3A_225 = arith.constant 0 : i32
        %dma_start3A_226 = tpu.memref_slice %arg3[%dma_start3A_224, %dma_start3A_225] : memref<8193x4096xf32, #tpu.memory_space<hbm>> -> memref<8193x4096xf32, #tpu.memory_space<hbm>>
        tpu.enqueue_indirect_dma source(%dma_start3A_226 : memref<8193x4096xf32, #tpu.memory_space<hbm>>) target(%arg7 : memref<8x4096xf32, #tpu.memory_space<vmem>>) offsets(%dma_start3A_223 : memref<8xi32, #tpu.memory_space<vmem>>) semaphore(%arg9 : memref<!tpu.dma_semaphore, #tpu.memory_space<semaphore_mem>>)
        %dma_wait3A_227 = arith.constant 0 : i32
        %dma_wait3A_228 = tpu.memref_slice %arg6[%dma_wait3A_227] : memref<16xi32, #tpu.memory_space<vmem>> -> memref<8xi32, #tpu.memory_space<vmem>>
        %dma_wait3A_229 = arith.constant 0 : i32
        %dma_wait3A_230 = arith.constant 0 : i32
        %dma_wait3A_231 = tpu.memref_slice %arg3[%dma_wait3A_229, %dma_wait3A_230] : memref<8193x4096xf32, #tpu.memory_space<hbm>> -> memref<8193x4096xf32, #tpu.memory_space<hbm>>
        tpu.wait_indirect_dma semaphore(%arg9 : memref<!tpu.dma_semaphore, #tpu.memory_space<semaphore_mem>>) src(%dma_wait3A_231 : memref<8193x4096xf32, #tpu.memory_space<hbm>>) dst(%arg7 : memref<8x4096xf32, #tpu.memory_space<vmem>>)
        %add3A_232 = arith.constant 0 : i32
        %add3A_233 = arith.addi %add3A_232, %mul3A_2 : i32
        %mul3A_234 = arith.constant 16 : i32
        %mul3A_235 = arith.muli %scan3A_126, %mul3A_234 : i32
        %add3A_236 = arith.addi %add3A_233, %mul3A_235 : i32
        %add3A_237 = arith.constant 0 : i32
        %add3A_238 = arith.addi %add3A_236, %add3A_237 : i32
        "tpu.region"() ({
          %run_scoped3A = tpu.sem_alloc : memref<!tpu.dma_semaphore, #tpu.memory_space<semaphore_mem>>
          %dma_start3A_256 = arith.constant 0 : i32
          %dma_start3A_257 = tpu.memref_slice %arg4[%add3A_238, %dma_start3A_256] : memref<32768x4096xf32, #tpu.memory_space<hbm>> -> memref<8x4096xf32, #tpu.memory_space<hbm>>
          %dma_start3A_258 = arith.constant 0 : i32
          %dma_start3A_259 = tpu.memref_slice %arg4[%add3A_238, %dma_start3A_258] : memref<32768x4096xf32, #tpu.memory_space<hbm>> -> memref<8x4096xf32, #tpu.memory_space<hbm>>
          tpu.enqueue_dma source(%arg7 : memref<8x4096xf32, #tpu.memory_space<vmem>>) target(%dma_start3A_259 : memref<8x4096xf32, #tpu.memory_space<hbm>>) target_semaphore(%run_scoped3A : memref<!tpu.dma_semaphore, #tpu.memory_space<semaphore_mem>>)
          %dma_wait3A_260 = arith.constant 0 : i32
          %dma_wait3A_261 = tpu.memref_slice %arg4[%add3A_238, %dma_wait3A_260] : memref<32768x4096xf32, #tpu.memory_space<hbm>> -> memref<8x4096xf32, #tpu.memory_space<hbm>>
          %dma_wait3A_262 = arith.constant 0 : i32
          %dma_wait3A_263 = tpu.memref_slice %arg4[%add3A_238, %dma_wait3A_262] : memref<32768x4096xf32, #tpu.memory_space<hbm>> -> memref<8x4096xf32, #tpu.memory_space<hbm>>
          tpu.wait_dma2 semaphore(%run_scoped3A : memref<!tpu.dma_semaphore, #tpu.memory_space<semaphore_mem>>) src(%arg7 : memref<8x4096xf32, #tpu.memory_space<vmem>>) dst(%dma_wait3A_263 : memref<8x4096xf32, #tpu.memory_space<hbm>>)
          tpu.yield
        }) : () -> ()
        %dma_start3A_239 = arith.constant 8 : i32
        %dma_start3A_240 = tpu.memref_slice %arg6[%dma_start3A_239] : memref<16xi32, #tpu.memory_space<vmem>> -> memref<8xi32, #tpu.memory_space<vmem>>
        %dma_start3A_241 = arith.constant 0 : i32
        %dma_start3A_242 = arith.constant 0 : i32
        %dma_start3A_243 = tpu.memref_slice %arg3[%dma_start3A_241, %dma_start3A_242] : memref<8193x4096xf32, #tpu.memory_space<hbm>> -> memref<8193x4096xf32, #tpu.memory_space<hbm>>
        tpu.enqueue_indirect_dma source(%dma_start3A_243 : memref<8193x4096xf32, #tpu.memory_space<hbm>>) target(%arg8 : memref<8x4096xf32, #tpu.memory_space<vmem>>) offsets(%dma_start3A_240 : memref<8xi32, #tpu.memory_space<vmem>>) semaphore(%arg10 : memref<!tpu.dma_semaphore, #tpu.memory_space<semaphore_mem>>)
        %dma_wait3A_244 = arith.constant 8 : i32
        %dma_wait3A_245 = tpu.memref_slice %arg6[%dma_wait3A_244] : memref<16xi32, #tpu.memory_space<vmem>> -> memref<8xi32, #tpu.memory_space<vmem>>
        %dma_wait3A_246 = arith.constant 0 : i32
        %dma_wait3A_247 = arith.constant 0 : i32
        %dma_wait3A_248 = tpu.memref_slice %arg3[%dma_wait3A_246, %dma_wait3A_247] : memref<8193x4096xf32, #tpu.memory_space<hbm>> -> memref<8193x4096xf32, #tpu.memory_space<hbm>>
        tpu.wait_indirect_dma semaphore(%arg10 : memref<!tpu.dma_semaphore, #tpu.memory_space<semaphore_mem>>) src(%dma_wait3A_248 : memref<8193x4096xf32, #tpu.memory_space<hbm>>) dst(%arg8 : memref<8x4096xf32, #tpu.memory_space<vmem>>)
        %add3A_249 = arith.constant 0 : i32
        %add3A_250 = arith.addi %add3A_249, %mul3A_2 : i32
        %mul3A_251 = arith.constant 16 : i32
        %mul3A_252 = arith.muli %scan3A_126, %mul3A_251 : i32
        %add3A_253 = arith.addi %add3A_250, %mul3A_252 : i32
        %add3A_254 = arith.constant 8 : i32
        %add3A_255 = arith.addi %add3A_253, %add3A_254 : i32
        "tpu.region"() ({
          %run_scoped3A = tpu.sem_alloc : memref<!tpu.dma_semaphore, #tpu.memory_space<semaphore_mem>>
          %dma_start3A_256 = arith.constant 0 : i32
          %dma_start3A_257 = tpu.memref_slice %arg4[%add3A_255, %dma_start3A_256] : memref<32768x4096xf32, #tpu.memory_space<hbm>> -> memref<8x4096xf32, #tpu.memory_space<hbm>>
          %dma_start3A_258 = arith.constant 0 : i32
          %dma_start3A_259 = tpu.memref_slice %arg4[%add3A_255, %dma_start3A_258] : memref<32768x4096xf32, #tpu.memory_space<hbm>> -> memref<8x4096xf32, #tpu.memory_space<hbm>>
          tpu.enqueue_dma source(%arg8 : memref<8x4096xf32, #tpu.memory_space<vmem>>) target(%dma_start3A_259 : memref<8x4096xf32, #tpu.memory_space<hbm>>) target_semaphore(%run_scoped3A : memref<!tpu.dma_semaphore, #tpu.memory_space<semaphore_mem>>)
          %dma_wait3A_260 = arith.constant 0 : i32
          %dma_wait3A_261 = tpu.memref_slice %arg4[%add3A_255, %dma_wait3A_260] : memref<32768x4096xf32, #tpu.memory_space<hbm>> -> memref<8x4096xf32, #tpu.memory_space<hbm>>
          %dma_wait3A_262 = arith.constant 0 : i32
          %dma_wait3A_263 = tpu.memref_slice %arg4[%add3A_255, %dma_wait3A_262] : memref<32768x4096xf32, #tpu.memory_space<hbm>> -> memref<8x4096xf32, #tpu.memory_space<hbm>>
          tpu.wait_dma2 semaphore(%run_scoped3A : memref<!tpu.dma_semaphore, #tpu.memory_space<semaphore_mem>>) src(%arg8 : memref<8x4096xf32, #tpu.memory_space<vmem>>) dst(%dma_wait3A_263 : memref<8x4096xf32, #tpu.memory_space<hbm>>)
          tpu.yield
        }) : () -> ()
      } else {
      }
    }
    %scan3A_107 = arith.constant 16 : i32
    %scan3A_108 = arith.constant 0 : i32
    %scan3A_109 = arith.constant 0 : i32
    %scan3A_110 = arith.constant 16 : i32
    %scan3A_111 = arith.addi %scan3A_109, %scan3A_110 : i32
    %scan3A_112 = arith.constant 1 : i32
    scf.for %scan3A_126 = %scan3A_109 to %scan3A_111 step %scan3A_112  : i32 {
      %mul3A_127 = arith.constant 16 : i32
      %mul3A_128 = arith.muli %scan3A_126, %mul3A_127 : i32
      %add3A_129 = arith.constant 256 : i32
      %add3A_130 = arith.addi %add3A_129, %mul3A_128 : i32
      %get3A = arith.index_cast %add3A_130 : i32 to index
      %get3A_131 = tpu.vector_load %arg5[%get3A] {strides = array<i32>} : memref<1024xi32, #tpu.memory_space<vmem>>, vector<16xi32>,
      %get3A_132 = vector.shape_cast %get3A_131 : vector<16xi32> to vector<16xi32>
      %slice3A = vector.extract_strided_slice %get3A_132 {offsets = [0], sizes = [1], strides = [1]} : vector<16xi32> to vector<1xi32>
      %squeeze3A = vector.extract %slice3A[0] : i32 from vector<1xi32>
      %eq3A = arith.constant 0 : i32
      %eq3A_133 = arith.cmpi eq, %squeeze3A, %eq3A : i32
      %slice3A_134 = vector.extract_strided_slice %get3A_132 {offsets = [1], sizes = [1], strides = [1]} : vector<16xi32> to vector<1xi32>
      %squeeze3A_135 = vector.extract %slice3A_134[0] : i32 from vector<1xi32>
      %eq3A_136 = arith.constant 0 : i32
      %eq3A_137 = arith.cmpi eq, %squeeze3A_135, %eq3A_136 : i32
      %or3A = arith.ori %eq3A_133, %eq3A_137 : i1
      %slice3A_138 = vector.extract_strided_slice %get3A_132 {offsets = [2], sizes = [1], strides = [1]} : vector<16xi32> to vector<1xi32>
      %squeeze3A_139 = vector.extract %slice3A_138[0] : i32 from vector<1xi32>
      %eq3A_140 = arith.constant 0 : i32
      %eq3A_141 = arith.cmpi eq, %squeeze3A_139, %eq3A_140 : i32
      %or3A_142 = arith.ori %or3A, %eq3A_141 : i1
      %slice3A_143 = vector.extract_strided_slice %get3A_132 {offsets = [3], sizes = [1], strides = [1]} : vector<16xi32> to vector<1xi32>
      %squeeze3A_144 = vector.extract %slice3A_143[0] : i32 from vector<1xi32>
      %eq3A_145 = arith.constant 0 : i32
      %eq3A_146 = arith.cmpi eq, %squeeze3A_144, %eq3A_145 : i32
      %or3A_147 = arith.ori %or3A_142, %eq3A_146 : i1
      %slice3A_148 = vector.extract_strided_slice %get3A_132 {offsets = [4], sizes = [1], strides = [1]} : vector<16xi32> to vector<1xi32>
      %squeeze3A_149 = vector.extract %slice3A_148[0] : i32 from vector<1xi32>
      %eq3A_150 = arith.constant 0 : i32
      %eq3A_151 = arith.cmpi eq, %squeeze3A_149, %eq3A_150 : i32
      %or3A_152 = arith.ori %or3A_147, %eq3A_151 : i1
      %slice3A_153 = vector.extract_strided_slice %get3A_132 {offsets = [5], sizes = [1], strides = [1]} : vector<16xi32> to vector<1xi32>
      %squeeze3A_154 = vector.extract %slice3A_153[0] : i32 from vector<1xi32>
      %eq3A_155 = arith.constant 0 : i32
      %eq3A_156 = arith.cmpi eq, %squeeze3A_154, %eq3A_155 : i32
      %or3A_157 = arith.ori %or3A_152, %eq3A_156 : i1
      %slice3A_158 = vector.extract_strided_slice %get3A_132 {offsets = [6], sizes = [1], strides = [1]} : vector<16xi32> to vector<1xi32>
      %squeeze3A_159 = vector.extract %slice3A_158[0] : i32 from vector<1xi32>
      %eq3A_160 = arith.constant 0 : i32
      %eq3A_161 = arith.cmpi eq, %squeeze3A_159, %eq3A_160 : i32
      %or3A_162 = arith.ori %or3A_157, %eq3A_161 : i1
      %slice3A_163 = vector.extract_strided_slice %get3A_132 {offsets = [7], sizes = [1], strides = [1]} : vector<16xi32> to vector<1xi32>
      %squeeze3A_164 = vector.extract %slice3A_163[0] : i32 from vector<1xi32>
      %eq3A_165 = arith.constant 0 : i32
      %eq3A_166 = arith.cmpi eq, %squeeze3A_164, %eq3A_165 : i32
      %or3A_167 = arith.ori %or3A_162, %eq3A_166 : i1
      %slice3A_168 = vector.extract_strided_slice %get3A_132 {offsets = [8], sizes = [1], strides = [1]} : vector<16xi32> to vector<1xi32>
      %squeeze3A_169 = vector.extract %slice3A_168[0] : i32 from vector<1xi32>
      %eq3A_170 = arith.constant 0 : i32
      %eq3A_171 = arith.cmpi eq, %squeeze3A_169, %eq3A_170 : i32
      %or3A_172 = arith.ori %or3A_167, %eq3A_171 : i1
      %slice3A_173 = vector.extract_strided_slice %get3A_132 {offsets = [9], sizes = [1], strides = [1]} : vector<16xi32> to vector<1xi32>
      %squeeze3A_174 = vector.extract %slice3A_173[0] : i32 from vector<1xi32>
      %eq3A_175 = arith.constant 0 : i32
      %eq3A_176 = arith.cmpi eq, %squeeze3A_174, %eq3A_175 : i32
      %or3A_177 = arith.ori %or3A_172, %eq3A_176 : i1
      %slice3A_178 = vector.extract_strided_slice %get3A_132 {offsets = [10], sizes = [1], strides = [1]} : vector<16xi32> to vector<1xi32>
      %squeeze3A_179 = vector.extract %slice3A_178[0] : i32 from vector<1xi32>
      %eq3A_180 = arith.constant 0 : i32
      %eq3A_181 = arith.cmpi eq, %squeeze3A_179, %eq3A_180 : i32
      %or3A_182 = arith.ori %or3A_177, %eq3A_181 : i1
      %slice3A_183 = vector.extract_strided_slice %get3A_132 {offsets = [11], sizes = [1], strides = [1]} : vector<16xi32> to vector<1xi32>
      %squeeze3A_184 = vector.extract %slice3A_183[0] : i32 from vector<1xi32>
      %eq3A_185 = arith.constant 0 : i32
      %eq3A_186 = arith.cmpi eq, %squeeze3A_184, %eq3A_185 : i32
      %or3A_187 = arith.ori %or3A_182, %eq3A_186 : i1
      %slice3A_188 = vector.extract_strided_slice %get3A_132 {offsets = [12], sizes = [1], strides = [1]} : vector<16xi32> to vector<1xi32>
      %squeeze3A_189 = vector.extract %slice3A_188[0] : i32 from vector<1xi32>
      %eq3A_190 = arith.constant 0 : i32
      %eq3A_191 = arith.cmpi eq, %squeeze3A_189, %eq3A_190 : i32
      %or3A_192 = arith.ori %or3A_187, %eq3A_191 : i1
      %slice3A_193 = vector.extract_strided_slice %get3A_132 {offsets = [13], sizes = [1], strides = [1]} : vector<16xi32> to vector<1xi32>
      %squeeze3A_194 = vector.extract %slice3A_193[0] : i32 from vector<1xi32>
      %eq3A_195 = arith.constant 0 : i32
      %eq3A_196 = arith.cmpi eq, %squeeze3A_194, %eq3A_195 : i32
      %or3A_197 = arith.ori %or3A_192, %eq3A_196 : i1
      %slice3A_198 = vector.extract_strided_slice %get3A_132 {offsets = [14], sizes = [1], strides = [1]} : vector<16xi32> to vector<1xi32>
      %squeeze3A_199 = vector.extract %slice3A_198[0] : i32 from vector<1xi32>
      %eq3A_200 = arith.constant 0 : i32
      %eq3A_201 = arith.cmpi eq, %squeeze3A_199, %eq3A_200 : i32
      %or3A_202 = arith.ori %or3A_197, %eq3A_201 : i1
      %slice3A_203 = vector.extract_strided_slice %get3A_132 {offsets = [15], sizes = [1], strides = [1]} : vector<16xi32> to vector<1xi32>
      %squeeze3A_204 = vector.extract %slice3A_203[0] : i32 from vector<1xi32>
      %eq3A_205 = arith.constant 0 : i32
      %eq3A_206 = arith.cmpi eq, %squeeze3A_204, %eq3A_205 : i32
      %or3A_207 = arith.ori %or3A_202, %eq3A_206 : i1
      %convert_element_type3A = arith.extui %or3A_207 : i1 to i32
      %cond3A = arith.constant 0 : i32
      %cond3A_208 = arith.cmpi ne, %convert_element_type3A, %cond3A : i32
      scf.if %cond3A_208 {
        %ne3A = arith.constant 0 : i32
        %ne3A_209 = vector.broadcast %ne3A : i32 to vector<16xi32>
        %ne3A_210 = arith.cmpi ne, %get3A_132, %ne3A_209 : vector<16xi32>
        %mul3A_211 = arith.constant 16 : i32
        %mul3A_212 = arith.muli %scan3A_126, %mul3A_211 : i32
        %add3A_213 = arith.addi %mul3A_2, %mul3A_212 : i32
        %add3A_214 = vector.broadcast %add3A_213 : i32 to vector<16xi32>
        %add3A_215 = arith.addi %add3A_214, %iota3A : vector<16xi32>
        %add3A_216 = arith.constant 1 : i32
        %add3A_217 = vector.broadcast %add3A_216 : i32 to vector<16xi32>
        %add3A_218 = arith.addi %add3A_215, %add3A_217 : vector<16xi32>
        %jit3A = arith.constant 0 : i32
        %broadcast_in_dim3A = vector.broadcast %jit3A : i32 to vector<16xi32>
        %select_n3A = arith.select %ne3A_210, %add3A_218, %broadcast_in_dim3A : vector<16xi1>, vector<16xi32>
        %swap3A = arith.constant 0 : index
        %swap3A_219 = tpu.vector_load %arg6[%swap3A] {strides = array<i32>} : memref<16xi32, #tpu.memory_space<vmem>>, vector<16xi32>,
        %swap3A_220 = vector.shape_cast %swap3A_219 : vector<16xi32> to vector<16xi32>
        %swap3A_221 = vector.shape_cast %select_n3A : vector<16xi32> to vector<16xi32>
        tpu.vector_store %arg6[%swap3A], %swap3A_221 {strides = array<i32>} : memref<16xi32, #tpu.memory_space<vmem>>, vector<16xi32>,
        %dma_start3A_222 = arith.constant 0 : i32
        %dma_start3A_223 = tpu.memref_slice %arg6[%dma_start3A_222] : memref<16xi32, #tpu.memory_space<vmem>> -> memref<8xi32, #tpu.memory_space<vmem>>
        %dma_start3A_224 = arith.constant 0 : i32
        %dma_start3A_225 = arith.constant 0 : i32
        %dma_start3A_226 = tpu.memref_slice %arg3[%dma_start3A_224, %dma_start3A_225] : memref<8193x4096xf32, #tpu.memory_space<hbm>> -> memref<8193x4096xf32, #tpu.memory_space<hbm>>
        tpu.enqueue_indirect_dma source(%dma_start3A_226 : memref<8193x4096xf32, #tpu.memory_space<hbm>>) target(%arg7 : memref<8x4096xf32, #tpu.memory_space<vmem>>) offsets(%dma_start3A_223 : memref<8xi32, #tpu.memory_space<vmem>>) semaphore(%arg9 : memref<!tpu.dma_semaphore, #tpu.memory_space<semaphore_mem>>)
        %dma_wait3A_227 = arith.constant 0 : i32
        %dma_wait3A_228 = tpu.memref_slice %arg6[%dma_wait3A_227] : memref<16xi32, #tpu.memory_space<vmem>> -> memref<8xi32, #tpu.memory_space<vmem>>
        %dma_wait3A_229 = arith.constant 0 : i32
        %dma_wait3A_230 = arith.constant 0 : i32
        %dma_wait3A_231 = tpu.memref_slice %arg3[%dma_wait3A_229, %dma_wait3A_230] : memref<8193x4096xf32, #tpu.memory_space<hbm>> -> memref<8193x4096xf32, #tpu.memory_space<hbm>>
        tpu.wait_indirect_dma semaphore(%arg9 : memref<!tpu.dma_semaphore, #tpu.memory_space<semaphore_mem>>) src(%dma_wait3A_231 : memref<8193x4096xf32, #tpu.memory_space<hbm>>) dst(%arg7 : memref<8x4096xf32, #tpu.memory_space<vmem>>)
        %add3A_232 = arith.constant 8192 : i32
        %add3A_233 = arith.addi %add3A_232, %mul3A_2 : i32
        %mul3A_234 = arith.constant 16 : i32
        %mul3A_235 = arith.muli %scan3A_126, %mul3A_234 : i32
        %add3A_236 = arith.addi %add3A_233, %mul3A_235 : i32
        %add3A_237 = arith.constant 0 : i32
        %add3A_238 = arith.addi %add3A_236, %add3A_237 : i32
        "tpu.region"() ({
          %run_scoped3A = tpu.sem_alloc : memref<!tpu.dma_semaphore, #tpu.memory_space<semaphore_mem>>
          %dma_start3A_256 = arith.constant 0 : i32
          %dma_start3A_257 = tpu.memref_slice %arg4[%add3A_238, %dma_start3A_256] : memref<32768x4096xf32, #tpu.memory_space<hbm>> -> memref<8x4096xf32, #tpu.memory_space<hbm>>
          %dma_start3A_258 = arith.constant 0 : i32
          %dma_start3A_259 = tpu.memref_slice %arg4[%add3A_238, %dma_start3A_258] : memref<32768x4096xf32, #tpu.memory_space<hbm>> -> memref<8x4096xf32, #tpu.memory_space<hbm>>
          tpu.enqueue_dma source(%arg7 : memref<8x4096xf32, #tpu.memory_space<vmem>>) target(%dma_start3A_259 : memref<8x4096xf32, #tpu.memory_space<hbm>>) target_semaphore(%run_scoped3A : memref<!tpu.dma_semaphore, #tpu.memory_space<semaphore_mem>>)
          %dma_wait3A_260 = arith.constant 0 : i32
          %dma_wait3A_261 = tpu.memref_slice %arg4[%add3A_238, %dma_wait3A_260] : memref<32768x4096xf32, #tpu.memory_space<hbm>> -> memref<8x4096xf32, #tpu.memory_space<hbm>>
          %dma_wait3A_262 = arith.constant 0 : i32
          %dma_wait3A_263 = tpu.memref_slice %arg4[%add3A_238, %dma_wait3A_262] : memref<32768x4096xf32, #tpu.memory_space<hbm>> -> memref<8x4096xf32, #tpu.memory_space<hbm>>
          tpu.wait_dma2 semaphore(%run_scoped3A : memref<!tpu.dma_semaphore, #tpu.memory_space<semaphore_mem>>) src(%arg7 : memref<8x4096xf32, #tpu.memory_space<vmem>>) dst(%dma_wait3A_263 : memref<8x4096xf32, #tpu.memory_space<hbm>>)
          tpu.yield
        }) : () -> ()
        %dma_start3A_239 = arith.constant 8 : i32
        %dma_start3A_240 = tpu.memref_slice %arg6[%dma_start3A_239] : memref<16xi32, #tpu.memory_space<vmem>> -> memref<8xi32, #tpu.memory_space<vmem>>
        %dma_start3A_241 = arith.constant 0 : i32
        %dma_start3A_242 = arith.constant 0 : i32
        %dma_start3A_243 = tpu.memref_slice %arg3[%dma_start3A_241, %dma_start3A_242] : memref<8193x4096xf32, #tpu.memory_space<hbm>> -> memref<8193x4096xf32, #tpu.memory_space<hbm>>
        tpu.enqueue_indirect_dma source(%dma_start3A_243 : memref<8193x4096xf32, #tpu.memory_space<hbm>>) target(%arg8 : memref<8x4096xf32, #tpu.memory_space<vmem>>) offsets(%dma_start3A_240 : memref<8xi32, #tpu.memory_space<vmem>>) semaphore(%arg10 : memref<!tpu.dma_semaphore, #tpu.memory_space<semaphore_mem>>)
        %dma_wait3A_244 = arith.constant 8 : i32
        %dma_wait3A_245 = tpu.memref_slice %arg6[%dma_wait3A_244] : memref<16xi32, #tpu.memory_space<vmem>> -> memref<8xi32, #tpu.memory_space<vmem>>
        %dma_wait3A_246 = arith.constant 0 : i32
        %dma_wait3A_247 = arith.constant 0 : i32
        %dma_wait3A_248 = tpu.memref_slice %arg3[%dma_wait3A_246, %dma_wait3A_247] : memref<8193x4096xf32, #tpu.memory_space<hbm>> -> memref<8193x4096xf32, #tpu.memory_space<hbm>>
        tpu.wait_indirect_dma semaphore(%arg10 : memref<!tpu.dma_semaphore, #tpu.memory_space<semaphore_mem>>) src(%dma_wait3A_248 : memref<8193x4096xf32, #tpu.memory_space<hbm>>) dst(%arg8 : memref<8x4096xf32, #tpu.memory_space<vmem>>)
        %add3A_249 = arith.constant 8192 : i32
        %add3A_250 = arith.addi %add3A_249, %mul3A_2 : i32
        %mul3A_251 = arith.constant 16 : i32
        %mul3A_252 = arith.muli %scan3A_126, %mul3A_251 : i32
        %add3A_253 = arith.addi %add3A_250, %mul3A_252 : i32
        %add3A_254 = arith.constant 8 : i32
        %add3A_255 = arith.addi %add3A_253, %add3A_254 : i32
        "tpu.region"() ({
          %run_scoped3A = tpu.sem_alloc : memref<!tpu.dma_semaphore, #tpu.memory_space<semaphore_mem>>
          %dma_start3A_256 = arith.constant 0 : i32
          %dma_start3A_257 = tpu.memref_slice %arg4[%add3A_255, %dma_start3A_256] : memref<32768x4096xf32, #tpu.memory_space<hbm>> -> memref<8x4096xf32, #tpu.memory_space<hbm>>
          %dma_start3A_258 = arith.constant 0 : i32
          %dma_start3A_259 = tpu.memref_slice %arg4[%add3A_255, %dma_start3A_258] : memref<32768x4096xf32, #tpu.memory_space<hbm>> -> memref<8x4096xf32, #tpu.memory_space<hbm>>
          tpu.enqueue_dma source(%arg8 : memref<8x4096xf32, #tpu.memory_space<vmem>>) target(%dma_start3A_259 : memref<8x4096xf32, #tpu.memory_space<hbm>>) target_semaphore(%run_scoped3A : memref<!tpu.dma_semaphore, #tpu.memory_space<semaphore_mem>>)
          %dma_wait3A_260 = arith.constant 0 : i32
          %dma_wait3A_261 = tpu.memref_slice %arg4[%add3A_255, %dma_wait3A_260] : memref<32768x4096xf32, #tpu.memory_space<hbm>> -> memref<8x4096xf32, #tpu.memory_space<hbm>>
          %dma_wait3A_262 = arith.constant 0 : i32
          %dma_wait3A_263 = tpu.memref_slice %arg4[%add3A_255, %dma_wait3A_262] : memref<32768x4096xf32, #tpu.memory_space<hbm>> -> memref<8x4096xf32, #tpu.memory_space<hbm>>
          tpu.wait_dma2 semaphore(%run_scoped3A : memref<!tpu.dma_semaphore, #tpu.memory_space<semaphore_mem>>) src(%arg8 : memref<8x4096xf32, #tpu.memory_space<vmem>>) dst(%dma_wait3A_263 : memref<8x4096xf32, #tpu.memory_space<hbm>>)
          tpu.yield
        }) : () -> ()
      } else {
      }
    }
    %scan3A_113 = arith.constant 16 : i32
    %scan3A_114 = arith.constant 0 : i32
    %scan3A_115 = arith.constant 0 : i32
    %scan3A_116 = arith.constant 16 : i32
    %scan3A_117 = arith.addi %scan3A_115, %scan3A_116 : i32
    %scan3A_118 = arith.constant 1 : i32
    scf.for %scan3A_126 = %scan3A_115 to %scan3A_117 step %scan3A_118  : i32 {
      %mul3A_127 = arith.constant 16 : i32
      %mul3A_128 = arith.muli %scan3A_126, %mul3A_127 : i32
      %add3A_129 = arith.constant 512 : i32
      %add3A_130 = arith.addi %add3A_129, %mul3A_128 : i32
      %get3A = arith.index_cast %add3A_130 : i32 to index
      %get3A_131 = tpu.vector_load %arg5[%get3A] {strides = array<i32>} : memref<1024xi32, #tpu.memory_space<vmem>>, vector<16xi32>,
      %get3A_132 = vector.shape_cast %get3A_131 : vector<16xi32> to vector<16xi32>
      %slice3A = vector.extract_strided_slice %get3A_132 {offsets = [0], sizes = [1], strides = [1]} : vector<16xi32> to vector<1xi32>
      %squeeze3A = vector.extract %slice3A[0] : i32 from vector<1xi32>
      %eq3A = arith.constant 0 : i32
      %eq3A_133 = arith.cmpi eq, %squeeze3A, %eq3A : i32
      %slice3A_134 = vector.extract_strided_slice %get3A_132 {offsets = [1], sizes = [1], strides = [1]} : vector<16xi32> to vector<1xi32>
      %squeeze3A_135 = vector.extract %slice3A_134[0] : i32 from vector<1xi32>
      %eq3A_136 = arith.constant 0 : i32
      %eq3A_137 = arith.cmpi eq, %squeeze3A_135, %eq3A_136 : i32
      %or3A = arith.ori %eq3A_133, %eq3A_137 : i1
      %slice3A_138 = vector.extract_strided_slice %get3A_132 {offsets = [2], sizes = [1], strides = [1]} : vector<16xi32> to vector<1xi32>
      %squeeze3A_139 = vector.extract %slice3A_138[0] : i32 from vector<1xi32>
      %eq3A_140 = arith.constant 0 : i32
      %eq3A_141 = arith.cmpi eq, %squeeze3A_139, %eq3A_140 : i32
      %or3A_142 = arith.ori %or3A, %eq3A_141 : i1
      %slice3A_143 = vector.extract_strided_slice %get3A_132 {offsets = [3], sizes = [1], strides = [1]} : vector<16xi32> to vector<1xi32>
      %squeeze3A_144 = vector.extract %slice3A_143[0] : i32 from vector<1xi32>
      %eq3A_145 = arith.constant 0 : i32
      %eq3A_146 = arith.cmpi eq, %squeeze3A_144, %eq3A_145 : i32
      %or3A_147 = arith.ori %or3A_142, %eq3A_146 : i1
      %slice3A_148 = vector.extract_strided_slice %get3A_132 {offsets = [4], sizes = [1], strides = [1]} : vector<16xi32> to vector<1xi32>
      %squeeze3A_149 = vector.extract %slice3A_148[0] : i32 from vector<1xi32>
      %eq3A_150 = arith.constant 0 : i32
      %eq3A_151 = arith.cmpi eq, %squeeze3A_149, %eq3A_150 : i32
      %or3A_152 = arith.ori %or3A_147, %eq3A_151 : i1
      %slice3A_153 = vector.extract_strided_slice %get3A_132 {offsets = [5], sizes = [1], strides = [1]} : vector<16xi32> to vector<1xi32>
      %squeeze3A_154 = vector.extract %slice3A_153[0] : i32 from vector<1xi32>
      %eq3A_155 = arith.constant 0 : i32
      %eq3A_156 = arith.cmpi eq, %squeeze3A_154, %eq3A_155 : i32
      %or3A_157 = arith.ori %or3A_152, %eq3A_156 : i1
      %slice3A_158 = vector.extract_strided_slice %get3A_132 {offsets = [6], sizes = [1], strides = [1]} : vector<16xi32> to vector<1xi32>
      %squeeze3A_159 = vector.extract %slice3A_158[0] : i32 from vector<1xi32>
      %eq3A_160 = arith.constant 0 : i32
      %eq3A_161 = arith.cmpi eq, %squeeze3A_159, %eq3A_160 : i32
      %or3A_162 = arith.ori %or3A_157, %eq3A_161 : i1
      %slice3A_163 = vector.extract_strided_slice %get3A_132 {offsets = [7], sizes = [1], strides = [1]} : vector<16xi32> to vector<1xi32>
      %squeeze3A_164 = vector.extract %slice3A_163[0] : i32 from vector<1xi32>
      %eq3A_165 = arith.constant 0 : i32
      %eq3A_166 = arith.cmpi eq, %squeeze3A_164, %eq3A_165 : i32
      %or3A_167 = arith.ori %or3A_162, %eq3A_166 : i1
      %slice3A_168 = vector.extract_strided_slice %get3A_132 {offsets = [8], sizes = [1], strides = [1]} : vector<16xi32> to vector<1xi32>
      %squeeze3A_169 = vector.extract %slice3A_168[0] : i32 from vector<1xi32>
      %eq3A_170 = arith.constant 0 : i32
      %eq3A_171 = arith.cmpi eq, %squeeze3A_169, %eq3A_170 : i32
      %or3A_172 = arith.ori %or3A_167, %eq3A_171 : i1
      %slice3A_173 = vector.extract_strided_slice %get3A_132 {offsets = [9], sizes = [1], strides = [1]} : vector<16xi32> to vector<1xi32>
      %squeeze3A_174 = vector.extract %slice3A_173[0] : i32 from vector<1xi32>
      %eq3A_175 = arith.constant 0 : i32
      %eq3A_176 = arith.cmpi eq, %squeeze3A_174, %eq3A_175 : i32
      %or3A_177 = arith.ori %or3A_172, %eq3A_176 : i1
      %slice3A_178 = vector.extract_strided_slice %get3A_132 {offsets = [10], sizes = [1], strides = [1]} : vector<16xi32> to vector<1xi32>
      %squeeze3A_179 = vector.extract %slice3A_178[0] : i32 from vector<1xi32>
      %eq3A_180 = arith.constant 0 : i32
      %eq3A_181 = arith.cmpi eq, %squeeze3A_179, %eq3A_180 : i32
      %or3A_182 = arith.ori %or3A_177, %eq3A_181 : i1
      %slice3A_183 = vector.extract_strided_slice %get3A_132 {offsets = [11], sizes = [1], strides = [1]} : vector<16xi32> to vector<1xi32>
      %squeeze3A_184 = vector.extract %slice3A_183[0] : i32 from vector<1xi32>
      %eq3A_185 = arith.constant 0 : i32
      %eq3A_186 = arith.cmpi eq, %squeeze3A_184, %eq3A_185 : i32
      %or3A_187 = arith.ori %or3A_182, %eq3A_186 : i1
      %slice3A_188 = vector.extract_strided_slice %get3A_132 {offsets = [12], sizes = [1], strides = [1]} : vector<16xi32> to vector<1xi32>
      %squeeze3A_189 = vector.extract %slice3A_188[0] : i32 from vector<1xi32>
      %eq3A_190 = arith.constant 0 : i32
      %eq3A_191 = arith.cmpi eq, %squeeze3A_189, %eq3A_190 : i32
      %or3A_192 = arith.ori %or3A_187, %eq3A_191 : i1
      %slice3A_193 = vector.extract_strided_slice %get3A_132 {offsets = [13], sizes = [1], strides = [1]} : vector<16xi32> to vector<1xi32>
      %squeeze3A_194 = vector.extract %slice3A_193[0] : i32 from vector<1xi32>
      %eq3A_195 = arith.constant 0 : i32
      %eq3A_196 = arith.cmpi eq, %squeeze3A_194, %eq3A_195 : i32
      %or3A_197 = arith.ori %or3A_192, %eq3A_196 : i1
      %slice3A_198 = vector.extract_strided_slice %get3A_132 {offsets = [14], sizes = [1], strides = [1]} : vector<16xi32> to vector<1xi32>
      %squeeze3A_199 = vector.extract %slice3A_198[0] : i32 from vector<1xi32>
      %eq3A_200 = arith.constant 0 : i32
      %eq3A_201 = arith.cmpi eq, %squeeze3A_199, %eq3A_200 : i32
      %or3A_202 = arith.ori %or3A_197, %eq3A_201 : i1
      %slice3A_203 = vector.extract_strided_slice %get3A_132 {offsets = [15], sizes = [1], strides = [1]} : vector<16xi32> to vector<1xi32>
      %squeeze3A_204 = vector.extract %slice3A_203[0] : i32 from vector<1xi32>
      %eq3A_205 = arith.constant 0 : i32
      %eq3A_206 = arith.cmpi eq, %squeeze3A_204, %eq3A_205 : i32
      %or3A_207 = arith.ori %or3A_202, %eq3A_206 : i1
      %convert_element_type3A = arith.extui %or3A_207 : i1 to i32
      %cond3A = arith.constant 0 : i32
      %cond3A_208 = arith.cmpi ne, %convert_element_type3A, %cond3A : i32
      scf.if %cond3A_208 {
        %ne3A = arith.constant 0 : i32
        %ne3A_209 = vector.broadcast %ne3A : i32 to vector<16xi32>
        %ne3A_210 = arith.cmpi ne, %get3A_132, %ne3A_209 : vector<16xi32>
        %mul3A_211 = arith.constant 16 : i32
        %mul3A_212 = arith.muli %scan3A_126, %mul3A_211 : i32
        %add3A_213 = arith.addi %mul3A_2, %mul3A_212 : i32
        %add3A_214 = vector.broadcast %add3A_213 : i32 to vector<16xi32>
        %add3A_215 = arith.addi %add3A_214, %iota3A : vector<16xi32>
        %add3A_216 = arith.constant 1 : i32
        %add3A_217 = vector.broadcast %add3A_216 : i32 to vector<16xi32>
        %add3A_218 = arith.addi %add3A_215, %add3A_217 : vector<16xi32>
        %jit3A = arith.constant 0 : i32
        %broadcast_in_dim3A = vector.broadcast %jit3A : i32 to vector<16xi32>
        %select_n3A = arith.select %ne3A_210, %add3A_218, %broadcast_in_dim3A : vector<16xi1>, vector<16xi32>
        %swap3A = arith.constant 0 : index
        %swap3A_219 = tpu.vector_load %arg6[%swap3A] {strides = array<i32>} : memref<16xi32, #tpu.memory_space<vmem>>, vector<16xi32>,
        %swap3A_220 = vector.shape_cast %swap3A_219 : vector<16xi32> to vector<16xi32>
        %swap3A_221 = vector.shape_cast %select_n3A : vector<16xi32> to vector<16xi32>
        tpu.vector_store %arg6[%swap3A], %swap3A_221 {strides = array<i32>} : memref<16xi32, #tpu.memory_space<vmem>>, vector<16xi32>,
        %dma_start3A_222 = arith.constant 0 : i32
        %dma_start3A_223 = tpu.memref_slice %arg6[%dma_start3A_222] : memref<16xi32, #tpu.memory_space<vmem>> -> memref<8xi32, #tpu.memory_space<vmem>>
        %dma_start3A_224 = arith.constant 0 : i32
        %dma_start3A_225 = arith.constant 0 : i32
        %dma_start3A_226 = tpu.memref_slice %arg3[%dma_start3A_224, %dma_start3A_225] : memref<8193x4096xf32, #tpu.memory_space<hbm>> -> memref<8193x4096xf32, #tpu.memory_space<hbm>>
        tpu.enqueue_indirect_dma source(%dma_start3A_226 : memref<8193x4096xf32, #tpu.memory_space<hbm>>) target(%arg7 : memref<8x4096xf32, #tpu.memory_space<vmem>>) offsets(%dma_start3A_223 : memref<8xi32, #tpu.memory_space<vmem>>) semaphore(%arg9 : memref<!tpu.dma_semaphore, #tpu.memory_space<semaphore_mem>>)
        %dma_wait3A_227 = arith.constant 0 : i32
        %dma_wait3A_228 = tpu.memref_slice %arg6[%dma_wait3A_227] : memref<16xi32, #tpu.memory_space<vmem>> -> memref<8xi32, #tpu.memory_space<vmem>>
        %dma_wait3A_229 = arith.constant 0 : i32
        %dma_wait3A_230 = arith.constant 0 : i32
        %dma_wait3A_231 = tpu.memref_slice %arg3[%dma_wait3A_229, %dma_wait3A_230] : memref<8193x4096xf32, #tpu.memory_space<hbm>> -> memref<8193x4096xf32, #tpu.memory_space<hbm>>
        tpu.wait_indirect_dma semaphore(%arg9 : memref<!tpu.dma_semaphore, #tpu.memory_space<semaphore_mem>>) src(%dma_wait3A_231 : memref<8193x4096xf32, #tpu.memory_space<hbm>>) dst(%arg7 : memref<8x4096xf32, #tpu.memory_space<vmem>>)
        %add3A_232 = arith.constant 16384 : i32
        %add3A_233 = arith.addi %add3A_232, %mul3A_2 : i32
        %mul3A_234 = arith.constant 16 : i32
        %mul3A_235 = arith.muli %scan3A_126, %mul3A_234 : i32
        %add3A_236 = arith.addi %add3A_233, %mul3A_235 : i32
        %add3A_237 = arith.constant 0 : i32
        %add3A_238 = arith.addi %add3A_236, %add3A_237 : i32
        "tpu.region"() ({
          %run_scoped3A = tpu.sem_alloc : memref<!tpu.dma_semaphore, #tpu.memory_space<semaphore_mem>>
          %dma_start3A_256 = arith.constant 0 : i32
          %dma_start3A_257 = tpu.memref_slice %arg4[%add3A_238, %dma_start3A_256] : memref<32768x4096xf32, #tpu.memory_space<hbm>> -> memref<8x4096xf32, #tpu.memory_space<hbm>>
          %dma_start3A_258 = arith.constant 0 : i32
          %dma_start3A_259 = tpu.memref_slice %arg4[%add3A_238, %dma_start3A_258] : memref<32768x4096xf32, #tpu.memory_space<hbm>> -> memref<8x4096xf32, #tpu.memory_space<hbm>>
          tpu.enqueue_dma source(%arg7 : memref<8x4096xf32, #tpu.memory_space<vmem>>) target(%dma_start3A_259 : memref<8x4096xf32, #tpu.memory_space<hbm>>) target_semaphore(%run_scoped3A : memref<!tpu.dma_semaphore, #tpu.memory_space<semaphore_mem>>)
          %dma_wait3A_260 = arith.constant 0 : i32
          %dma_wait3A_261 = tpu.memref_slice %arg4[%add3A_238, %dma_wait3A_260] : memref<32768x4096xf32, #tpu.memory_space<hbm>> -> memref<8x4096xf32, #tpu.memory_space<hbm>>
          %dma_wait3A_262 = arith.constant 0 : i32
          %dma_wait3A_263 = tpu.memref_slice %arg4[%add3A_238, %dma_wait3A_262] : memref<32768x4096xf32, #tpu.memory_space<hbm>> -> memref<8x4096xf32, #tpu.memory_space<hbm>>
          tpu.wait_dma2 semaphore(%run_scoped3A : memref<!tpu.dma_semaphore, #tpu.memory_space<semaphore_mem>>) src(%arg7 : memref<8x4096xf32, #tpu.memory_space<vmem>>) dst(%dma_wait3A_263 : memref<8x4096xf32, #tpu.memory_space<hbm>>)
          tpu.yield
        }) : () -> ()
        %dma_start3A_239 = arith.constant 8 : i32
        %dma_start3A_240 = tpu.memref_slice %arg6[%dma_start3A_239] : memref<16xi32, #tpu.memory_space<vmem>> -> memref<8xi32, #tpu.memory_space<vmem>>
        %dma_start3A_241 = arith.constant 0 : i32
        %dma_start3A_242 = arith.constant 0 : i32
        %dma_start3A_243 = tpu.memref_slice %arg3[%dma_start3A_241, %dma_start3A_242] : memref<8193x4096xf32, #tpu.memory_space<hbm>> -> memref<8193x4096xf32, #tpu.memory_space<hbm>>
        tpu.enqueue_indirect_dma source(%dma_start3A_243 : memref<8193x4096xf32, #tpu.memory_space<hbm>>) target(%arg8 : memref<8x4096xf32, #tpu.memory_space<vmem>>) offsets(%dma_start3A_240 : memref<8xi32, #tpu.memory_space<vmem>>) semaphore(%arg10 : memref<!tpu.dma_semaphore, #tpu.memory_space<semaphore_mem>>)
        %dma_wait3A_244 = arith.constant 8 : i32
        %dma_wait3A_245 = tpu.memref_slice %arg6[%dma_wait3A_244] : memref<16xi32, #tpu.memory_space<vmem>> -> memref<8xi32, #tpu.memory_space<vmem>>
        %dma_wait3A_246 = arith.constant 0 : i32
        %dma_wait3A_247 = arith.constant 0 : i32
        %dma_wait3A_248 = tpu.memref_slice %arg3[%dma_wait3A_246, %dma_wait3A_247] : memref<8193x4096xf32, #tpu.memory_space<hbm>> -> memref<8193x4096xf32, #tpu.memory_space<hbm>>
        tpu.wait_indirect_dma semaphore(%arg10 : memref<!tpu.dma_semaphore, #tpu.memory_space<semaphore_mem>>) src(%dma_wait3A_248 : memref<8193x4096xf32, #tpu.memory_space<hbm>>) dst(%arg8 : memref<8x4096xf32, #tpu.memory_space<vmem>>)
        %add3A_249 = arith.constant 16384 : i32
        %add3A_250 = arith.addi %add3A_249, %mul3A_2 : i32
        %mul3A_251 = arith.constant 16 : i32
        %mul3A_252 = arith.muli %scan3A_126, %mul3A_251 : i32
        %add3A_253 = arith.addi %add3A_250, %mul3A_252 : i32
        %add3A_254 = arith.constant 8 : i32
        %add3A_255 = arith.addi %add3A_253, %add3A_254 : i32
        "tpu.region"() ({
          %run_scoped3A = tpu.sem_alloc : memref<!tpu.dma_semaphore, #tpu.memory_space<semaphore_mem>>
          %dma_start3A_256 = arith.constant 0 : i32
          %dma_start3A_257 = tpu.memref_slice %arg4[%add3A_255, %dma_start3A_256] : memref<32768x4096xf32, #tpu.memory_space<hbm>> -> memref<8x4096xf32, #tpu.memory_space<hbm>>
          %dma_start3A_258 = arith.constant 0 : i32
          %dma_start3A_259 = tpu.memref_slice %arg4[%add3A_255, %dma_start3A_258] : memref<32768x4096xf32, #tpu.memory_space<hbm>> -> memref<8x4096xf32, #tpu.memory_space<hbm>>
          tpu.enqueue_dma source(%arg8 : memref<8x4096xf32, #tpu.memory_space<vmem>>) target(%dma_start3A_259 : memref<8x4096xf32, #tpu.memory_space<hbm>>) target_semaphore(%run_scoped3A : memref<!tpu.dma_semaphore, #tpu.memory_space<semaphore_mem>>)
          %dma_wait3A_260 = arith.constant 0 : i32
          %dma_wait3A_261 = tpu.memref_slice %arg4[%add3A_255, %dma_wait3A_260] : memref<32768x4096xf32, #tpu.memory_space<hbm>> -> memref<8x4096xf32, #tpu.memory_space<hbm>>
          %dma_wait3A_262 = arith.constant 0 : i32
          %dma_wait3A_263 = tpu.memref_slice %arg4[%add3A_255, %dma_wait3A_262] : memref<32768x4096xf32, #tpu.memory_space<hbm>> -> memref<8x4096xf32, #tpu.memory_space<hbm>>
          tpu.wait_dma2 semaphore(%run_scoped3A : memref<!tpu.dma_semaphore, #tpu.memory_space<semaphore_mem>>) src(%arg8 : memref<8x4096xf32, #tpu.memory_space<vmem>>) dst(%dma_wait3A_263 : memref<8x4096xf32, #tpu.memory_space<hbm>>)
          tpu.yield
        }) : () -> ()
      } else {
      }
    }
    %scan3A_119 = arith.constant 16 : i32
    %scan3A_120 = arith.constant 0 : i32
    %scan3A_121 = arith.constant 0 : i32
    %scan3A_122 = arith.constant 16 : i32
    %scan3A_123 = arith.addi %scan3A_121, %scan3A_122 : i32
    %scan3A_124 = arith.constant 1 : i32
    scf.for %scan3A_126 = %scan3A_121 to %scan3A_123 step %scan3A_124  : i32 {
      %mul3A_127 = arith.constant 16 : i32
      %mul3A_128 = arith.muli %scan3A_126, %mul3A_127 : i32
      %add3A_129 = arith.constant 768 : i32
      %add3A_130 = arith.addi %add3A_129, %mul3A_128 : i32
      %get3A = arith.index_cast %add3A_130 : i32 to index
      %get3A_131 = tpu.vector_load %arg5[%get3A] {strides = array<i32>} : memref<1024xi32, #tpu.memory_space<vmem>>, vector<16xi32>,
      %get3A_132 = vector.shape_cast %get3A_131 : vector<16xi32> to vector<16xi32>
      %slice3A = vector.extract_strided_slice %get3A_132 {offsets = [0], sizes = [1], strides = [1]} : vector<16xi32> to vector<1xi32>
      %squeeze3A = vector.extract %slice3A[0] : i32 from vector<1xi32>
      %eq3A = arith.constant 0 : i32
      %eq3A_133 = arith.cmpi eq, %squeeze3A, %eq3A : i32
      %slice3A_134 = vector.extract_strided_slice %get3A_132 {offsets = [1], sizes = [1], strides = [1]} : vector<16xi32> to vector<1xi32>
      %squeeze3A_135 = vector.extract %slice3A_134[0] : i32 from vector<1xi32>
      %eq3A_136 = arith.constant 0 : i32
      %eq3A_137 = arith.cmpi eq, %squeeze3A_135, %eq3A_136 : i32
      %or3A = arith.ori %eq3A_133, %eq3A_137 : i1
      %slice3A_138 = vector.extract_strided_slice %get3A_132 {offsets = [2], sizes = [1], strides = [1]} : vector<16xi32> to vector<1xi32>
      %squeeze3A_139 = vector.extract %slice3A_138[0] : i32 from vector<1xi32>
      %eq3A_140 = arith.constant 0 : i32
      %eq3A_141 = arith.cmpi eq, %squeeze3A_139, %eq3A_140 : i32
      %or3A_142 = arith.ori %or3A, %eq3A_141 : i1
      %slice3A_143 = vector.extract_strided_slice %get3A_132 {offsets = [3], sizes = [1], strides = [1]} : vector<16xi32> to vector<1xi32>
      %squeeze3A_144 = vector.extract %slice3A_143[0] : i32 from vector<1xi32>
      %eq3A_145 = arith.constant 0 : i32
      %eq3A_146 = arith.cmpi eq, %squeeze3A_144, %eq3A_145 : i32
      %or3A_147 = arith.ori %or3A_142, %eq3A_146 : i1
      %slice3A_148 = vector.extract_strided_slice %get3A_132 {offsets = [4], sizes = [1], strides = [1]} : vector<16xi32> to vector<1xi32>
      %squeeze3A_149 = vector.extract %slice3A_148[0] : i32 from vector<1xi32>
      %eq3A_150 = arith.constant 0 : i32
      %eq3A_151 = arith.cmpi eq, %squeeze3A_149, %eq3A_150 : i32
      %or3A_152 = arith.ori %or3A_147, %eq3A_151 : i1
      %slice3A_153 = vector.extract_strided_slice %get3A_132 {offsets = [5], sizes = [1], strides = [1]} : vector<16xi32> to vector<1xi32>
      %squeeze3A_154 = vector.extract %slice3A_153[0] : i32 from vector<1xi32>
      %eq3A_155 = arith.constant 0 : i32
      %eq3A_156 = arith.cmpi eq, %squeeze3A_154, %eq3A_155 : i32
      %or3A_157 = arith.ori %or3A_152, %eq3A_156 : i1
      %slice3A_158 = vector.extract_strided_slice %get3A_132 {offsets = [6], sizes = [1], strides = [1]} : vector<16xi32> to vector<1xi32>
      %squeeze3A_159 = vector.extract %slice3A_158[0] : i32 from vector<1xi32>
      %eq3A_160 = arith.constant 0 : i32
      %eq3A_161 = arith.cmpi eq, %squeeze3A_159, %eq3A_160 : i32
      %or3A_162 = arith.ori %or3A_157, %eq3A_161 : i1
      %slice3A_163 = vector.extract_strided_slice %get3A_132 {offsets = [7], sizes = [1], strides = [1]} : vector<16xi32> to vector<1xi32>
      %squeeze3A_164 = vector.extract %slice3A_163[0] : i32 from vector<1xi32>
      %eq3A_165 = arith.constant 0 : i32
      %eq3A_166 = arith.cmpi eq, %squeeze3A_164, %eq3A_165 : i32
      %or3A_167 = arith.ori %or3A_162, %eq3A_166 : i1
      %slice3A_168 = vector.extract_strided_slice %get3A_132 {offsets = [8], sizes = [1], strides = [1]} : vector<16xi32> to vector<1xi32>
      %squeeze3A_169 = vector.extract %slice3A_168[0] : i32 from vector<1xi32>
      %eq3A_170 = arith.constant 0 : i32
      %eq3A_171 = arith.cmpi eq, %squeeze3A_169, %eq3A_170 : i32
      %or3A_172 = arith.ori %or3A_167, %eq3A_171 : i1
      %slice3A_173 = vector.extract_strided_slice %get3A_132 {offsets = [9], sizes = [1], strides = [1]} : vector<16xi32> to vector<1xi32>
      %squeeze3A_174 = vector.extract %slice3A_173[0] : i32 from vector<1xi32>
      %eq3A_175 = arith.constant 0 : i32
      %eq3A_176 = arith.cmpi eq, %squeeze3A_174, %eq3A_175 : i32
      %or3A_177 = arith.ori %or3A_172, %eq3A_176 : i1
      %slice3A_178 = vector.extract_strided_slice %get3A_132 {offsets = [10], sizes = [1], strides = [1]} : vector<16xi32> to vector<1xi32>
      %squeeze3A_179 = vector.extract %slice3A_178[0] : i32 from vector<1xi32>
      %eq3A_180 = arith.constant 0 : i32
      %eq3A_181 = arith.cmpi eq, %squeeze3A_179, %eq3A_180 : i32
      %or3A_182 = arith.ori %or3A_177, %eq3A_181 : i1
      %slice3A_183 = vector.extract_strided_slice %get3A_132 {offsets = [11], sizes = [1], strides = [1]} : vector<16xi32> to vector<1xi32>
      %squeeze3A_184 = vector.extract %slice3A_183[0] : i32 from vector<1xi32>
      %eq3A_185 = arith.constant 0 : i32
      %eq3A_186 = arith.cmpi eq, %squeeze3A_184, %eq3A_185 : i32
      %or3A_187 = arith.ori %or3A_182, %eq3A_186 : i1
      %slice3A_188 = vector.extract_strided_slice %get3A_132 {offsets = [12], sizes = [1], strides = [1]} : vector<16xi32> to vector<1xi32>
      %squeeze3A_189 = vector.extract %slice3A_188[0] : i32 from vector<1xi32>
      %eq3A_190 = arith.constant 0 : i32
      %eq3A_191 = arith.cmpi eq, %squeeze3A_189, %eq3A_190 : i32
      %or3A_192 = arith.ori %or3A_187, %eq3A_191 : i1
      %slice3A_193 = vector.extract_strided_slice %get3A_132 {offsets = [13], sizes = [1], strides = [1]} : vector<16xi32> to vector<1xi32>
      %squeeze3A_194 = vector.extract %slice3A_193[0] : i32 from vector<1xi32>
      %eq3A_195 = arith.constant 0 : i32
      %eq3A_196 = arith.cmpi eq, %squeeze3A_194, %eq3A_195 : i32
      %or3A_197 = arith.ori %or3A_192, %eq3A_196 : i1
      %slice3A_198 = vector.extract_strided_slice %get3A_132 {offsets = [14], sizes = [1], strides = [1]} : vector<16xi32> to vector<1xi32>
      %squeeze3A_199 = vector.extract %slice3A_198[0] : i32 from vector<1xi32>
      %eq3A_200 = arith.constant 0 : i32
      %eq3A_201 = arith.cmpi eq, %squeeze3A_199, %eq3A_200 : i32
      %or3A_202 = arith.ori %or3A_197, %eq3A_201 : i1
      %slice3A_203 = vector.extract_strided_slice %get3A_132 {offsets = [15], sizes = [1], strides = [1]} : vector<16xi32> to vector<1xi32>
      %squeeze3A_204 = vector.extract %slice3A_203[0] : i32 from vector<1xi32>
      %eq3A_205 = arith.constant 0 : i32
      %eq3A_206 = arith.cmpi eq, %squeeze3A_204, %eq3A_205 : i32
      %or3A_207 = arith.ori %or3A_202, %eq3A_206 : i1
      %convert_element_type3A = arith.extui %or3A_207 : i1 to i32
      %cond3A = arith.constant 0 : i32
      %cond3A_208 = arith.cmpi ne, %convert_element_type3A, %cond3A : i32
      scf.if %cond3A_208 {
        %ne3A = arith.constant 0 : i32
        %ne3A_209 = vector.broadcast %ne3A : i32 to vector<16xi32>
        %ne3A_210 = arith.cmpi ne, %get3A_132, %ne3A_209 : vector<16xi32>
        %mul3A_211 = arith.constant 16 : i32
        %mul3A_212 = arith.muli %scan3A_126, %mul3A_211 : i32
        %add3A_213 = arith.addi %mul3A_2, %mul3A_212 : i32
        %add3A_214 = vector.broadcast %add3A_213 : i32 to vector<16xi32>
        %add3A_215 = arith.addi %add3A_214, %iota3A : vector<16xi32>
        %add3A_216 = arith.constant 1 : i32
        %add3A_217 = vector.broadcast %add3A_216 : i32 to vector<16xi32>
        %add3A_218 = arith.addi %add3A_215, %add3A_217 : vector<16xi32>
        %jit3A = arith.constant 0 : i32
        %broadcast_in_dim3A = vector.broadcast %jit3A : i32 to vector<16xi32>
        %select_n3A = arith.select %ne3A_210, %add3A_218, %broadcast_in_dim3A : vector<16xi1>, vector<16xi32>
        %swap3A = arith.constant 0 : index
        %swap3A_219 = tpu.vector_load %arg6[%swap3A] {strides = array<i32>} : memref<16xi32, #tpu.memory_space<vmem>>, vector<16xi32>,
        %swap3A_220 = vector.shape_cast %swap3A_219 : vector<16xi32> to vector<16xi32>
        %swap3A_221 = vector.shape_cast %select_n3A : vector<16xi32> to vector<16xi32>
        tpu.vector_store %arg6[%swap3A], %swap3A_221 {strides = array<i32>} : memref<16xi32, #tpu.memory_space<vmem>>, vector<16xi32>,
        %dma_start3A_222 = arith.constant 0 : i32
        %dma_start3A_223 = tpu.memref_slice %arg6[%dma_start3A_222] : memref<16xi32, #tpu.memory_space<vmem>> -> memref<8xi32, #tpu.memory_space<vmem>>
        %dma_start3A_224 = arith.constant 0 : i32
        %dma_start3A_225 = arith.constant 0 : i32
        %dma_start3A_226 = tpu.memref_slice %arg3[%dma_start3A_224, %dma_start3A_225] : memref<8193x4096xf32, #tpu.memory_space<hbm>> -> memref<8193x4096xf32, #tpu.memory_space<hbm>>
        tpu.enqueue_indirect_dma source(%dma_start3A_226 : memref<8193x4096xf32, #tpu.memory_space<hbm>>) target(%arg7 : memref<8x4096xf32, #tpu.memory_space<vmem>>) offsets(%dma_start3A_223 : memref<8xi32, #tpu.memory_space<vmem>>) semaphore(%arg9 : memref<!tpu.dma_semaphore, #tpu.memory_space<semaphore_mem>>)
        %dma_wait3A_227 = arith.constant 0 : i32
        %dma_wait3A_228 = tpu.memref_slice %arg6[%dma_wait3A_227] : memref<16xi32, #tpu.memory_space<vmem>> -> memref<8xi32, #tpu.memory_space<vmem>>
        %dma_wait3A_229 = arith.constant 0 : i32
        %dma_wait3A_230 = arith.constant 0 : i32
        %dma_wait3A_231 = tpu.memref_slice %arg3[%dma_wait3A_229, %dma_wait3A_230] : memref<8193x4096xf32, #tpu.memory_space<hbm>> -> memref<8193x4096xf32, #tpu.memory_space<hbm>>
        tpu.wait_indirect_dma semaphore(%arg9 : memref<!tpu.dma_semaphore, #tpu.memory_space<semaphore_mem>>) src(%dma_wait3A_231 : memref<8193x4096xf32, #tpu.memory_space<hbm>>) dst(%arg7 : memref<8x4096xf32, #tpu.memory_space<vmem>>)
        %add3A_232 = arith.constant 24576 : i32
        %add3A_233 = arith.addi %add3A_232, %mul3A_2 : i32
        %mul3A_234 = arith.constant 16 : i32
        %mul3A_235 = arith.muli %scan3A_126, %mul3A_234 : i32
        %add3A_236 = arith.addi %add3A_233, %mul3A_235 : i32
        %add3A_237 = arith.constant 0 : i32
        %add3A_238 = arith.addi %add3A_236, %add3A_237 : i32
        "tpu.region"() ({
          %run_scoped3A = tpu.sem_alloc : memref<!tpu.dma_semaphore, #tpu.memory_space<semaphore_mem>>
          %dma_start3A_256 = arith.constant 0 : i32
          %dma_start3A_257 = tpu.memref_slice %arg4[%add3A_238, %dma_start3A_256] : memref<32768x4096xf32, #tpu.memory_space<hbm>> -> memref<8x4096xf32, #tpu.memory_space<hbm>>
          %dma_start3A_258 = arith.constant 0 : i32
          %dma_start3A_259 = tpu.memref_slice %arg4[%add3A_238, %dma_start3A_258] : memref<32768x4096xf32, #tpu.memory_space<hbm>> -> memref<8x4096xf32, #tpu.memory_space<hbm>>
          tpu.enqueue_dma source(%arg7 : memref<8x4096xf32, #tpu.memory_space<vmem>>) target(%dma_start3A_259 : memref<8x4096xf32, #tpu.memory_space<hbm>>) target_semaphore(%run_scoped3A : memref<!tpu.dma_semaphore, #tpu.memory_space<semaphore_mem>>)
          %dma_wait3A_260 = arith.constant 0 : i32
          %dma_wait3A_261 = tpu.memref_slice %arg4[%add3A_238, %dma_wait3A_260] : memref<32768x4096xf32, #tpu.memory_space<hbm>> -> memref<8x4096xf32, #tpu.memory_space<hbm>>
          %dma_wait3A_262 = arith.constant 0 : i32
          %dma_wait3A_263 = tpu.memref_slice %arg4[%add3A_238, %dma_wait3A_262] : memref<32768x4096xf32, #tpu.memory_space<hbm>> -> memref<8x4096xf32, #tpu.memory_space<hbm>>
          tpu.wait_dma2 semaphore(%run_scoped3A : memref<!tpu.dma_semaphore, #tpu.memory_space<semaphore_mem>>) src(%arg7 : memref<8x4096xf32, #tpu.memory_space<vmem>>) dst(%dma_wait3A_263 : memref<8x4096xf32, #tpu.memory_space<hbm>>)
          tpu.yield
        }) : () -> ()
        %dma_start3A_239 = arith.constant 8 : i32
        %dma_start3A_240 = tpu.memref_slice %arg6[%dma_start3A_239] : memref<16xi32, #tpu.memory_space<vmem>> -> memref<8xi32, #tpu.memory_space<vmem>>
        %dma_start3A_241 = arith.constant 0 : i32
        %dma_start3A_242 = arith.constant 0 : i32
        %dma_start3A_243 = tpu.memref_slice %arg3[%dma_start3A_241, %dma_start3A_242] : memref<8193x4096xf32, #tpu.memory_space<hbm>> -> memref<8193x4096xf32, #tpu.memory_space<hbm>>
        tpu.enqueue_indirect_dma source(%dma_start3A_243 : memref<8193x4096xf32, #tpu.memory_space<hbm>>) target(%arg8 : memref<8x4096xf32, #tpu.memory_space<vmem>>) offsets(%dma_start3A_240 : memref<8xi32, #tpu.memory_space<vmem>>) semaphore(%arg10 : memref<!tpu.dma_semaphore, #tpu.memory_space<semaphore_mem>>)
        %dma_wait3A_244 = arith.constant 8 : i32
        %dma_wait3A_245 = tpu.memref_slice %arg6[%dma_wait3A_244] : memref<16xi32, #tpu.memory_space<vmem>> -> memref<8xi32, #tpu.memory_space<vmem>>
        %dma_wait3A_246 = arith.constant 0 : i32
        %dma_wait3A_247 = arith.constant 0 : i32
        %dma_wait3A_248 = tpu.memref_slice %arg3[%dma_wait3A_246, %dma_wait3A_247] : memref<8193x4096xf32, #tpu.memory_space<hbm>> -> memref<8193x4096xf32, #tpu.memory_space<hbm>>
        tpu.wait_indirect_dma semaphore(%arg10 : memref<!tpu.dma_semaphore, #tpu.memory_space<semaphore_mem>>) src(%dma_wait3A_248 : memref<8193x4096xf32, #tpu.memory_space<hbm>>) dst(%arg8 : memref<8x4096xf32, #tpu.memory_space<vmem>>)
        %add3A_249 = arith.constant 24576 : i32
        %add3A_250 = arith.addi %add3A_249, %mul3A_2 : i32
        %mul3A_251 = arith.constant 16 : i32
        %mul3A_252 = arith.muli %scan3A_126, %mul3A_251 : i32
        %add3A_253 = arith.addi %add3A_250, %mul3A_252 : i32
        %add3A_254 = arith.constant 8 : i32
        %add3A_255 = arith.addi %add3A_253, %add3A_254 : i32
        "tpu.region"() ({
          %run_scoped3A = tpu.sem_alloc : memref<!tpu.dma_semaphore, #tpu.memory_space<semaphore_mem>>
          %dma_start3A_256 = arith.constant 0 : i32
          %dma_start3A_257 = tpu.memref_slice %arg4[%add3A_255, %dma_start3A_256] : memref<32768x4096xf32, #tpu.memory_space<hbm>> -> memref<8x4096xf32, #tpu.memory_space<hbm>>
          %dma_start3A_258 = arith.constant 0 : i32
          %dma_start3A_259 = tpu.memref_slice %arg4[%add3A_255, %dma_start3A_258] : memref<32768x4096xf32, #tpu.memory_space<hbm>> -> memref<8x4096xf32, #tpu.memory_space<hbm>>
          tpu.enqueue_dma source(%arg8 : memref<8x4096xf32, #tpu.memory_space<vmem>>) target(%dma_start3A_259 : memref<8x4096xf32, #tpu.memory_space<hbm>>) target_semaphore(%run_scoped3A : memref<!tpu.dma_semaphore, #tpu.memory_space<semaphore_mem>>)
          %dma_wait3A_260 = arith.constant 0 : i32
          %dma_wait3A_261 = tpu.memref_slice %arg4[%add3A_255, %dma_wait3A_260] : memref<32768x4096xf32, #tpu.memory_space<hbm>> -> memref<8x4096xf32, #tpu.memory_space<hbm>>
          %dma_wait3A_262 = arith.constant 0 : i32
          %dma_wait3A_263 = tpu.memref_slice %arg4[%add3A_255, %dma_wait3A_262] : memref<32768x4096xf32, #tpu.memory_space<hbm>> -> memref<8x4096xf32, #tpu.memory_space<hbm>>
          tpu.wait_dma2 semaphore(%run_scoped3A : memref<!tpu.dma_semaphore, #tpu.memory_space<semaphore_mem>>) src(%arg8 : memref<8x4096xf32, #tpu.memory_space<vmem>>) dst(%dma_wait3A_263 : memref<8x4096xf32, #tpu.memory_space<hbm>>)
          tpu.yield
        }) : () -> ()
      } else {
      }
    }
    %scan3A_125 = arith.constant 16 : i32
    return
  }
}

</mosaic_0001>

<sc_bundles>
// kernel: kernel.3.cloned.1.call-start
scs
__scs_entry_jumppad:
0x0: {  	(pc) =	sbr.rel $0x88, $3  }
0x1: {  	(tag) =	ssettag $0x0;
	lr =	simm.s32 $0x1  }
0x2: {  	[smem:$0x3F9F] =	sst lr;
	_ =	strace $0xD0000000  }
0x3: {  	_ = 	snop  }
0x4: {  	_ = 	snop  }
0x5: {  	_ = 	snop  }
0x6: {  	_ = 	snop  }
0x7: {  	_ = 	snop  }
__scs_overlays_trampoline_lowered:
0x8: {  	[smem:$0x3FAE] =	sst s0  }
0x9: {  	[smem:$0x3FAF] =	sst s1  }
0xa: {  	[smem:$0x3FB0] =	sst s2  }
0xb: {  	[smem:$0x3FB1] =	sst s3  }
0xc: {  	[smem:$0x3FB2] =	sst s4  }
0xd: {  	[smem:$0x3FB3] =	sst s5  }
0xe: {  	[smem:$0x3FB4] =	sst s6  }
0xf: {  	[smem:$0x3FB5] =	sst s7  }
0x10: {  	[smem:$0x3FB6] =	sst s8  }
0x11: {  	[smem:$0x3FB7] =	sst s9;
	s0 =	simm.s32 @!p0 $0x0  }
0x12: {  	s1 =	sld [smem:$0x3F9D];
	s0 =	simm.s32 @p0 $0x1  }
0x13: {  	[smem:$0x3FB8] =	sst s0;
	s0 =	simm.s32 @!p1 $0x0  }
0x14: {  	s2 =	sld [smem:$0x3F9C];
	s0 =	simm.s32 @p1 $0x1  }
0x15: {  	[smem:$0x3FB9] =	sst s0;
	s0 =	simm.s32 @!p2 $0x0  }
0x16: {  	s3 =	sld [smem:$0x3FDB];
	s0 =	simm.s32 @p2 $0x1  }
0x17: {  	s4 =	simm.s32 $0x1BF5;
	[smem:$0x3FBB] =	sst s0  }
0x18: {  	s0 =	sld [smem:$0x3F9E];
	_ =	swait.ge [sflag:s4], $0x0  }
0x19: {  	s7 =	sld [smem:$0x3F9F]  }
0x1a: {  	s8 =	sadd.s32 $0xFFFFE003, lr  }
0x1b: {  	s9 =	sadd.s32 $0xFFFFFEF7, lr;
	s5 =	simm.s32 $0xFFFFFFFF;
	p2 =	slt.u32 s8, $0xFFFFF086  }
0x1c: {  	p1 =	slt.u32 s9, $0xF7A;
	s5 =	simm.s32 @!p2 $0x0  }
0x1d: {  	s5 =	simm.s32 @p1 $0x1;
	p0 =	seq.s32 s7, s2  }
0x1e: {  	s7 =	smul.u32 @!p0 $0xF7A, s2;
	p2 =	seq.s32 @!p0 s5, $0x0  }
0x1f: {  	s9 =	smul.u32 $0xF7A, s1;
	s8 =	simm.s32 @!p0 $0x1BF5;
	p2 =	por !p2, p0  }
0x20: {  	[sflag:s8] =	ssyncset.s32 @!p0 $0xFFFFF086;
	s6 =	sadd.s32 @!p0 s3, s7;
	s7 =	simm.s32 @!p0 $0x108  }
0x21: {  	s3 =	sadd.s32 s3, s9;
	s6 =	sadd.s32 @!p0 $0x88, s6;
	s7 =	simm.s32 @p2 $0x1082  }
0x22: {  	[simem:s7], [sflag:s8] =	dma.local @!p0 [hbm:s6], $0xF7A  }
0x23: {  	s9 =	sor.u32 $0xD0000000, s2;
	s6 =	simm.s32 $0x108;
	_ =	swait.ge @!p0 [sflag:s8], $0x0  }
0x24: {  	s3 =	sadd.s32 $0x88, s3;
	s6 =	simm.s32 @!p1 $0x1082;
	[sflag:s4] =	ssyncset.s32 $0xFFFFF086  }
0x25: {  	[simem:s6], [sflag:s4] =	dma.local [hbm:s3], $0xF7A  }
0x26: {  	[smem:$0x3F9F] =	sst s1;
	(tag) =	ssettag s2;
	_ =	strace s9  }
0x27: {  	s1 =	sld [smem:$0x3FAF]  }
0x28: {  	s2 =	sld [smem:$0x3FB0]  }
0x29: {  	s4 =	sld [smem:$0x3FB2]  }
0x2a: {  	p0 =	seq.s32 s5, $0x0;
	s5 =	sld [smem:$0x3FB3]  }
0x2b: {  	s6 =	sld [smem:$0x3FB4]  }
0x2c: {  	s7 =	sld [smem:$0x3FB5]  }
0x2d: {  	s3 =	simm.s32 $0x108;
	s8 =	sld [smem:$0x3FB6]  }
0x2e: {  	s3 =	simm.s32 @!p0 $0x1082;
	s9 =	sld [smem:$0x3FB7]  }
0x2f: {  	lr =	sadd.s32 s0, s3;
	s0 =	sld [smem:$0x3FAE]  }
0x30: {  	s3 =	sld [smem:$0x3FB1]  }
0x31: {  	[smem:$0x3FBA] =	sst s10  }
0x32: {  	s10 =	sld [smem:$0x3FB8];
	_ =	sdelay $0x3  }
0x33: {  	p0 =	seq.s32 s10, $0x1;
	s10 =	sld [smem:$0x3FBA];
	_ =	sdelay $0x3  }
0x34: {  	[smem:$0x3FBA] =	sst s10  }
0x35: {  	s10 =	sld [smem:$0x3FB9];
	_ =	sdelay $0x3  }
0x36: {  	p1 =	seq.s32 s10, $0x1;
	s10 =	sld [smem:$0x3FBA];
	_ =	sdelay $0x3  }
0x37: {  	[smem:$0x3FBA] =	sst s10  }
0x38: {  	s10 =	sld [smem:$0x3FBB]  }
0x39: {  	_ = 	snop;
	(pc) =	sbr.ind lr, $3  }
0x3a: {  	_ = 	snop  }
0x3b: {  	_ = 	snop  }
0x3c: {  	p2 =	seq.s32 s10, $0x1;
	s10 =	sld [smem:$0x3FBA]  }
0x3d: {  	_ =	shalt  }
0x3e: {  	_ =	shalt  }
0x3f: {  	_ =	shalt  }
0x40: {  	_ =	shalt  }
0x41: {  	_ =	shalt  }
0x42: {  	_ =	shalt  }
0x43: {  	_ =	shalt  }
0x44: {  	_ =	shalt  }
0x45: {  	_ =	shalt  }
0x46: {  	_ =	shalt  }
0x47: {  	_ =	shalt  }
0x48: {  	_ =	shalt  }
0x49: {  	_ =	shalt  }
0x4a: {  	_ =	shalt  }
0x4b: {  	_ =	shalt  }
0x4c: {  	_ =	shalt  }
0x4d: {  	_ =	shalt  }
0x4e: {  	_ =	shalt  }
0x4f: {  	_ =	shalt  }
0x50: {  	_ =	shalt  }
0x51: {  	_ =	shalt  }
0x52: {  	_ =	shalt  }
0x53: {  	_ =	shalt  }
0x54: {  	_ =	shalt  }
0x55: {  	_ =	shalt  }
0x56: {  	_ =	shalt  }
0x57: {  	_ =	shalt  }
0x58: {  	_ =	shalt  }
0x59: {  	_ =	shalt  }
0x5a: {  	_ =	shalt  }
0x5b: {  	_ =	shalt  }
0x5c: {  	_ =	shalt  }
0x5d: {  	_ =	shalt  }
0x5e: {  	_ =	shalt  }
0x5f: {  	_ =	shalt  }
0x60: {  	_ =	shalt  }
0x61: {  	_ =	shalt  }
0x62: {  	_ =	shalt  }
0x63: {  	_ =	shalt  }
0x64: {  	_ =	shalt  }
0x65: {  	_ =	shalt  }
0x66: {  	_ =	shalt  }
0x67: {  	_ =	shalt  }
0x68: {  	_ =	shalt  }
0x69: {  	_ =	shalt  }
0x6a: {  	_ =	shalt  }
0x6b: {  	_ =	shalt  }
0x6c: {  	_ =	shalt  }
0x6d: {  	_ =	shalt  }
0x6e: {  	_ =	shalt  }
0x6f: {  	_ =	shalt  }
0x70: {  	_ =	shalt  }
0x71: {  	_ =	shalt  }
0x72: {  	_ =	shalt  }
0x73: {  	_ =	shalt  }
0x74: {  	_ =	shalt  }
0x75: {  	_ =	shalt  }
0x76: {  	_ =	shalt  }
0x77: {  	_ =	shalt  }
0x78: {  	_ =	shalt  }
0x79: {  	_ =	shalt  }
0x7a: {  	_ =	shalt  }
0x7b: {  	_ =	shalt  }
0x7c: {  	_ =	shalt  }
0x7d: {  	_ =	shalt  }
0x7e: {  	_ =	shalt  }
0x7f: {  	_ =	shalt  }
0x80: {  	_ =	shalt  }
0x81: {  	_ =	shalt  }
0x82: {  	_ =	shalt  }
0x83: {  	_ =	shalt  }
0x84: {  	_ =	shalt  }
0x85: {  	_ =	shalt  }
0x86: {  	_ =	shalt  }
0x87: {  	_ =	shalt  }
.Lfunc_end0:
.L_simem_size_0:
called_computation_lowered:
.L_overlay_start_0:
0x88: {  	s2 =	sld [smem:$0x3FD9]  }
0x89: {  	s3 =	sld [smem:$0x3FFE];
	_ =	sdelay $0x1  }
0x8a: {  	s1 =	srdreg.scid  }
0x8b: {  	s0 =	sand.u32 $0x1, s1  }
0x8c: {  	s17 =	sshll.u32 s0, $0xA;
	s2 =	sadd.s32 s3, s2  }
0x8d: {  	s2 =	sadd.s32 s2, s17  }
0x8e: {  	[smem:$0x3FC6] =	sst s2  }
0x8f: {  	_ = 	snop  }
0x90: {  	s2 =	sld [smem:$0x3FC8]  }
0x91: {  	s18 =	sld [smem:$0x3FD0];
	(tm) =	ssettm $0x1  }
0x92: {  	s4 =	sld [smem:$0x3FFB];
	_ =	sdelay $0x3  }
0x93: {  	_ =	strace s4  }
0x94: {  	s4 =	sld [smem:$0x3FFC];
	_ =	sdelay $0x3  }
0x95: {  	_ =	strace s4  }
0x96: {  	s4 =	sld [smem:$0x3FFD];
	_ =	sdelay $0x3  }
0x97: {  	_ =	strace s4  }
0x98: {  	_ =	strace $0x8FFFFFFF  }
0x99: {  	s19 =	sld [smem:$0x3FDB];
	_ =	sdelay $0x1  }
0x9a: {  	s5 =	simm.s32 $_scs_section_size  }
0x9b: {  	s6 =	simm.s32 $_size__tile_overlayer_lowered;
	s7 =	simm.s32 $_tile_overlayer_lowered  }
0x9c: {  	s22 =	simm.s32 $0x1BFF;
	s21 =	sshll.u32 s7, $0x1;
	s4 =	sadd.s32 s5, s19  }
0x9d: {  	s8 =	simm.s32 $0x0;
	s20 =	sshll.u32 s6, $0x1;
	s6 =	sadd.s32 s21, s4  }
0x9e: {  	[timem:s8], [sflag:s22] =	dma.local [hbm:s6], s20  }
0x9f: {  	_ =	swait.ge [sflag:s22], s20  }
0xa0: {  	s5 =	ssub.s32 $0x0, s20;
	[sflag:s22] =	ssyncset.done $0x0  }
0xa1: {  	[sflag:s22] =	ssyncadd.s32 s5;
	_ =	sdelay $0x1  }
0xa2: {  	s23 =	simm.s32 $0x1B8B  }
0xa3: {  	_ =	swait.ge [sflag:s23], $0x1  }
0xa4: {  	[sflag:s23] =	ssyncset.done $0x0  }
0xa5: {  	s25 =	simm.s32 $0x1B8E;
	s24 =	sld [smem:$0x3FFE];
	[sflag:s23] =	ssyncadd.s32 $0xFFFFFFFF  }
0xa6: {  	s26 =	simm.s32 $execute0_lowered;
	[smem:$0x3FD2] =	sst s25  }
0xa7: {  	s6 =	sshll.u32 s26, $0x1;
	_ =	strace $0x80000046;
	[dreg:$0x1] =	wrdreg $0xFFFFFFFF  }
0xa8: {  	s28 =	simm.s32 $_size_execute0_lowered;
	s4 =	sadd.s32 s4, s6;
	[dreg:$0x0] =	wrdreg $0x0  }
0xa9: {  	s6 =	sshll.u32 s28, $0x1;
	[dreg:$0x2] =	wrdreg s4  }
0xaa: {  	[dreg:$0x3] =	wrdreg s6  }
0xab: {  	[dreg:$0x4] =	wrdreg $0xC0  }
0xac: {  	_ =	task [dreg:s8], $0x5FFFF  }
0xad: {  	[dreg:$0x1] =	wrdreg $0xFFFFFFFF  }
0xae: {  	[dreg:$0x0] =	wrdreg $0x60  }
0xaf: {  	[dreg:$0x2] =	wrdreg s24  }
0xb0: {  	[dreg:$0x3] =	wrdreg s2  }
0xb1: {  	[dreg:$0x4] =	wrdreg s18  }
0xb2: {  	[dreg:$0x5] =	wrdreg $0x9  }
0xb3: {  	_ =	task.clear_ibuf [dreg:s8], $0x6FFFF;
	_ =	strace $0x90000046  }
0xb4: {  	s29 =	simm.s32 $0x9;
	_ =	strace $0x80000048  }
0xb5: {  	_ =	swait.ge [sflag:s29], $0x1  }
0xb6: {  	[sflag:s29] =	ssyncadd.s32 $0xFFFFFFFF  }
0xb7: {  	_ =	strace $0x90000048  }
0xb8: {  	_ =	sfence  }
0xb9: {  	s30 =	sld [smem:$0x0];
	_ =	sdelay $0x2  }
0xba: {  	s31 =	sshll.u32 s1, $0xD;
	s1 =	sshrl.u32 s1, $0x2  }
0xbb: {  	s3 =	sand.u32 $0x4000, s31;
	s1 =	sadd.s32 s1, s30  }
0xbc: {  	s0 =	sor.u32 s3, s0;
	s1 =	sshll.u32 s1, $0x11  }
0xbd: {  	s0 =	sor.u32 s1, s0  }
0xbe: {  	s0 =	sadd.s32 $0x8F2B, s0  }
0xbf: {  	[sflag:s0] =	ssyncadd.remote.s32 $0x1  }
0xc0: {  	_ =	sfence.sel $0xFFFF  }
0xc1: {  	[dreg:$0x0] =	wrdreg $0xFFFFFFFF;
	(pc) =	sbr.abs _section_cstart, $3  }
0xc2: {  	[dreg:$0x1] =	wrdreg $0xFFFFFFFF  }
0xc3: {  	_ =	task.clear_ibuf [dreg:s8], $0x2FFFF;
	_ =	strace $0x9FFFFFFF  }
0xc4: {  	(tm) =	ssettm $0x7FFFFFFF  }
0xc5: {  	_ =	shalt  }
tec
execute0_lowered:
.L_overlay_start_1:
0x0: {  	(tag) =	ssettag $0x1  }
0x1: {  	s0 =	rddreg [dreg:$0x0]  }
0x2: {  	s1 =	rddreg [dreg:$0x1]  }
0x3: {  	s2 =	rddreg [dreg:$0x2];
	s4 =	srdreg.scid  }
0x4: {  	s3 =	simm.s32 $0x0;
	s9 =	stileid.u32;
	s30 =	simm.s32 $0x2480  }
0x5: {  	s31 =	simm.s32 $0x2C80;
	s4 =	sand.u32 $0x1, s4;
	[smem:$0x7FF] =	sst s3  }
0x6: {  	s5 =	sshll.u32 s9, $0x9;
	s0 =	sadd.s32 $0x400, s0;
	s11 =	sadd.s32 $0x100, s1  }
0x7: {  	s12 =	sadd.s32 $0x200, s1;
	s13 =	sadd.s32 $0x300, s1;
	s14 =	sadd.s32 $0x400, s1  }
0x8: {  	s15 =	sadd.s32 $0x700, s1;
	s16 =	sadd.s32 $0x800, s1;
	s17 =	sadd.s32 $0x900, s1  }
0x9: {  	s25 =	sshll.u32 s9, $0x12;
	_ =	strace $0x80000047;
	[dreg:$0x9] =	wrdreg s11  }
0xa: {  	s6 =	sshll.u32 s4, $0x8;
	s7 =	ssub.s32 $0x2, s4;
	[dreg:$0xa] =	wrdreg s12  }
0xb: {  	[dreg:$0xb] =	wrdreg s13;
	s10 =	sor.u32 s6, s5;
	s20 =	sshrl.u32 s7, $0x1  }
0xc: {  	[dreg:$0xc] =	wrdreg s14;
	s6 =	sshrl.u32 s10, $0x3;
	s5 =	ssub.s32 s7, s20  }
0xd: {  	s21 =	sor.u32 $0x2000, s10;
	s22 =	sor.u32 $0x4000, s10;
	s8 =	sor.u32 $0x6000, s10  }
0xe: {  	s26 =	sshll.u32 s10, $0x9;
	[dreg:$0x4] =	wrdreg s10;
	s9 =	sor.u32 $0x1, s10  }
0xf: {  	s6 =	sadd.s32 s0, s6;
	s23 =	sshrl.u32 s22, $0x3;
	[dreg:$0x14] =	wrdreg s9  }
0x10: {  	s24 =	sshrl.u32 s8, $0x3;
	s5 =	smax.u32 s5, $0x1;
	[dreg:$0x5] =	wrdreg s6  }
0x11: {  	s22 =	sadd.s32 $0x500, s1;
	s7 =	sadd.s32 s26, s2;
	[dreg:$0xf] =	wrdreg s5  }
0x12: {  	s6 =	sshrl.u32 s21, $0x3;
	s8 =	sadd.s32 $0x801000, s7;
	[dreg:$0xd] =	wrdreg s22  }
0x13: {  	s18 =	sadd.s32 $0xA00, s1;
	s6 =	sadd.s32 s0, s6;
	[dreg:$0x12] =	wrdreg s8  }
0x14: {  	s19 =	sadd.s32 $0xB00, s1;
	[dreg:$0x6] =	wrdreg s6;
	s6 =	sadd.s32 s0, s23  }
0x15: {  	s28 =	sadd.s32 $0xE00, s1;
	s0 =	sadd.s32 s0, s24;
	[dreg:$0x7] =	wrdreg s6  }
0x16: {  	s4 =	sshll.u32 s4, $0x11;
	s23 =	sadd.s32 $0x600, s1;
	[dreg:$0x8] =	wrdreg s0  }
0x17: {  	s0 =	sadd.s32 s25, s2;
	s2 =	sadd.s32 $0x401000, s7;
	[dreg:$0xe] =	wrdreg s23  }
0x18: {  	s5 =	sadd.s32 s4, s0;
	[dreg:$0x11] =	wrdreg s2;
	s0 =	sadd.s32 $0xC01000, s7  }
0x19: {  	s29 =	sadd.s32 $0xF00, s1;
	s20 =	sadd.s32 $0xC00, s1;
	[dreg:$0x13] =	wrdreg s0  }
.Ltmp0:
0x1a: {  	s10 =	sadd.s32 $0x1000, s5;
	[dreg:$0x10] =	wrdreg s5;
	(pc) =	sbr.rel .LBB2_1-.Ltmp0, $4  }
0x1b: {  	s26 =	sadd.s32 $0xD00, s1;
	s21 =	sadd.s32 $0x400000, s5;
	[dreg:$0x15] =	wrdreg s10  }
0x1c: {  	v0 =	vlaneseq.u32;
	s9 =	simm.s32 $0xC80;
	s24 =	sadd.s32 $0x800000, s5;
	[dreg:$0x16] =	wrdreg s21  }
0x1d: {  	vm0 =	vmmov $0xffff;
	v2 =	vshrl.u32 v0, $0x3;
	s2 =	simm.s32 $0x0;
	s25 =	sadd.s32 $0xC00000, s5;
	[dreg:$0x17] =	wrdreg s24  }
0x1e: {  	v1 =	vand.u32 $0x7, v0;
	v3 =	vadd.s32 $0x1, v0;
	v2 =	vmul.u32 $0x8, v2;
	[dreg:$0x18] =	wrdreg s25;
	s10 =	simm.s32 $0x1480;
	s25 =	simm.s32 $0x1C80  }
.LBB2_19:
0x1f: {  	s2 =	rddreg [dreg:$0x19]  }
0x20: {  	s0 =	rddreg [dreg:$0xf]  }
0x21: {  	s1 =	rddreg [dreg:$0x1]  }
0x22: {  	s11 =	rddreg [dreg:$0x9]  }
0x23: {  	s12 =	rddreg [dreg:$0xa];
	s2 =	sadd.s32 $0x1, s2  }
0x24: {  	s13 =	rddreg [dreg:$0xb];
	p0 =	sne.s32 s2, s0  }
.Ltmp1:
0x25: {  	s14 =	rddreg [dreg:$0xc];
	(pc) =	sbr.rel @!p0 .LBB2_20-.Ltmp1, $4  }
0x26: {  	s22 =	rddreg [dreg:$0xd]  }
0x27: {  	s23 =	rddreg [dreg:$0xe]  }
0x28: {  	s5 =	rddreg [dreg:$0x10];
	s9 =	simm.s32 $0xC80;
	s10 =	simm.s32 $0x1480  }
0x29: {  	s25 =	simm.s32 $0x1C80;
	s30 =	simm.s32 $0x2480;
	s31 =	simm.s32 $0x2C80  }
.LBB2_1:
0x2a: {  	[dreg:$0x19] =	wrdreg s2  }
0x2b: {  	s0 =	rddreg [dreg:$0x5]  }
0x2c: {  	s4 =	rddreg [dreg:$0x6]  }
0x2d: {  	[tilespmem:s3], [sflag:$0x5] =	stream.linear.gather [hbm4b:s0+s3], $0x100, $0x38;
	[tilespmem:$0x10480] =	vst v63  }
0x2e: {  	s6 =	simm.s32 $0x100;
	s7 =	rddreg [dreg:$0x7]  }
0x2f: {  	[tilespmem:s6], [sflag:$0x5] =	stream.linear.gather [hbm4b:s4+s3], $0x100, $0x38;
	[tilespmem:$0x10480] =	vst v63  }
0x30: {  	s8 =	simm.s32 $0x200;
	s21 =	rddreg [dreg:$0x8];
	s24 =	simm.s32 $0x300  }
0x31: {  	[tilespmem:s8], [sflag:$0x5] =	stream.linear.gather [hbm4b:s7+s3], $0x100, $0x38;
	[tilespmem:$0x10480] =	vst v63  }
0x32: {  	s2 =	simm.s32 $0x2;
	s0 =	simm.s32 $0x1;
	s4 =	rddreg [dreg:$0x14]  }
0x33: {  	[tilespmem:s24], [sflag:$0x5] =	stream.linear.gather [hbm4b:s21+s3], $0x100, $0x38;
	[tilespmem:$0x10480] =	vst v63  }
0x34: {  	s6 =	simm.s32 $0x8480;
	s7 =	simm.s32 $0x0;
	s24 =	simm.s32 $0x480  }
.LBB2_2:
0x35: {  	v4 =	vadd.s32 s4, v0;
	p0 =	seq.s32 s7, $0x0  }
0x36: {  	[tilespmem:$0x400] =	vst v4;
	s8 =	simm.s32 @!p0 $0x3  }
0x37: {  	_ =	swait.ge @!p0 [sflag:s8], $0x8000  }
0x38: {  	[sflag:s8] =	ssyncset.done @!p0 $0x0  }
0x39: {  	[sflag:s8] =	ssyncadd.s32 @!p0 $0xFFFF8000  }
0x3a: {  	_ =	swait.ge @!p0 [sflag:s8], $0x8000  }
0x3b: {  	[sflag:s8] =	ssyncset.done @!p0 $0x0  }
0x3c: {  	[sflag:s8] =	ssyncadd.s32 @!p0 $0xFFFF8000  }
0x3d: {  	_ =	swait.ge @!p0 [sflag:s8], $0x8000  }
0x3e: {  	[sflag:s8] =	ssyncset.done @!p0 $0x0  }
0x3f: {  	[sflag:s8] =	ssyncadd.s32 @!p0 $0xFFFF8000  }
0x40: {  	_ =	swait.ge @!p0 [sflag:s8], $0x8000  }
0x41: {  	[sflag:s8] =	ssyncset.done @!p0 $0x0  }
0x42: {  	[sflag:s8] =	ssyncadd.s32 @!p0 $0xFFFF8000  }
0x43: {  	v4 =	vld.msk [tilespmem:$0x400], $0xff;
	_ =	sdelay $0x4  }
0x44: {  	v5 =	vshll.u32 v4, $0x5  }
0x45: {  	v4 =	vand.u32 $0x7, v4;
	v5 =	vand.u32 $0xFFFFFF00, v5  }
0x46: {  	v4 =	vor.u32 v4, v5  }
0x47: {  	v4 =	vperm.xlane v4, v1;
	_ =	sdelay $0x1  }
0x48: {  	v4 =	vadd.s32 v2, v4;
	_ =	sdelay $0x4  }
0x49: {  	[tilespmem:s24], [sflag:$0x1] =	stream.indirect_vreg.gather [hbm4b:s1+s3], $0x80, v4, vm0, $0xb8;
	[tilespmem:$0x10480] =	vst v63  }
0x4a: {  	_ = 	snop  }
0x4b: {  	[tilespmem:s9], [sflag:$0x1] =	stream.indirect_vreg.gather [hbm4b:s11+s3], $0x80, v4, vm0, $0xb8;
	[tilespmem:$0x10480] =	vst v63  }
0x4c: {  	_ = 	snop  }
0x4d: {  	[tilespmem:s10], [sflag:$0x1] =	stream.indirect_vreg.gather [hbm4b:s12+s3], $0x80, v4, vm0, $0xb8;
	[tilespmem:$0x10480] =	vst v63  }
0x4e: {  	_ = 	snop  }
0x4f: {  	[tilespmem:s25], [sflag:$0x1] =	stream.indirect_vreg.gather [hbm4b:s13+s3], $0x80, v4, vm0, $0xb8;
	[tilespmem:$0x10480] =	vst v63  }
0x50: {  	_ = 	snop  }
0x51: {  	[tilespmem:s30], [sflag:$0x1] =	stream.indirect_vreg.gather [hbm4b:s14+s3], $0x80, v4, vm0, $0xb8;
	[tilespmem:$0x10480] =	vst v63  }
0x52: {  	_ = 	snop  }
0x53: {  	[tilespmem:s31], [sflag:$0x1] =	stream.indirect_vreg.gather [hbm4b:s22+s3], $0x80, v4, vm0, $0xb8;
	[tilespmem:$0x10480] =	vst v63  }
0x54: {  	s21 =	simm.s32 $0x3480  }
0x55: {  	[tilespmem:s21], [sflag:$0x1] =	stream.indirect_vreg.gather [hbm4b:s23+s3], $0x80, v4, vm0, $0xb8;
	[tilespmem:$0x10480] =	vst v63  }
0x56: {  	s21 =	simm.s32 $0x3C80  }
0x57: {  	[tilespmem:s21], [sflag:$0x1] =	stream.indirect_vreg.gather [hbm4b:s15+s3], $0x80, v4, vm0, $0xb8;
	[tilespmem:$0x10480] =	vst v63  }
0x58: {  	s21 =	simm.s32 $0x4480  }
0x59: {  	[tilespmem:s21], [sflag:$0x1] =	stream.indirect_vreg.gather [hbm4b:s16+s3], $0x80, v4, vm0, $0xb8;
	[tilespmem:$0x10480] =	vst v63  }
0x5a: {  	s21 =	simm.s32 $0x4C80  }
0x5b: {  	[tilespmem:s21], [sflag:$0x1] =	stream.indirect_vreg.gather [hbm4b:s17+s3], $0x80, v4, vm0, $0xb8;
	[tilespmem:$0x10480] =	vst v63  }
0x5c: {  	s21 =	simm.s32 $0x5480  }
0x5d: {  	[tilespmem:s21], [sflag:$0x1] =	stream.indirect_vreg.gather [hbm4b:s18+s3], $0x80, v4, vm0, $0xb8;
	[tilespmem:$0x10480] =	vst v63  }
0x5e: {  	s21 =	simm.s32 $0x5C80  }
0x5f: {  	[tilespmem:s21], [sflag:$0x1] =	stream.indirect_vreg.gather [hbm4b:s19+s3], $0x80, v4, vm0, $0xb8;
	[tilespmem:$0x10480] =	vst v63  }
0x60: {  	s21 =	simm.s32 $0x6480  }
0x61: {  	[tilespmem:s21], [sflag:$0x1] =	stream.indirect_vreg.gather [hbm4b:s20+s3], $0x80, v4, vm0, $0xb8;
	[tilespmem:$0x10480] =	vst v63  }
0x62: {  	s21 =	simm.s32 $0x6C80  }
0x63: {  	[tilespmem:s21], [sflag:$0x1] =	stream.indirect_vreg.gather [hbm4b:s26+s3], $0x80, v4, vm0, $0xb8;
	[tilespmem:$0x10480] =	vst v63  }
0x64: {  	s21 =	simm.s32 $0x7480  }
0x65: {  	[tilespmem:s21], [sflag:$0x1] =	stream.indirect_vreg.gather [hbm4b:s28+s3], $0x80, v4, vm0, $0xb8;
	[tilespmem:$0x10480] =	vst v63  }
0x66: {  	s21 =	simm.s32 $0x7C80  }
0x67: {  	[tilespmem:s21], [sflag:$0x1] =	stream.indirect_vreg.gather [hbm4b:s29+s3], $0x80, v4, vm0, $0xb8;
	[tilespmem:$0x10480] =	vst v63  }
0x68: {  	_ =	swait.ge [sflag:s0], $0x8000  }
0x69: {  	[sflag:s0] =	ssyncset.done $0x0  }
0x6a: {  	s8 =	sadd.s32 s7, s5;
	[sflag:s0] =	ssyncadd.s32 $0xFFFF8000  }
0x6b: {  	[hbm4b:s8+s3] =	stream.linear.scatter [tilespmem:s24], [sflag:$0x3], $0x8000, $0x38;
	[tilespmem:$0x10480] =	vst v63  }
0x6c: {  	s21 =	sadd.s32 $0x400000, s8  }
0x6d: {  	[hbm4b:s21+s3] =	stream.linear.scatter [tilespmem:s24], [sflag:$0x3], $0x8000, $0x38;
	[tilespmem:$0x10480] =	vst v63  }
0x6e: {  	s21 =	sadd.s32 $0x800000, s8  }
0x6f: {  	[hbm4b:s21+s3] =	stream.linear.scatter [tilespmem:s24], [sflag:$0x3], $0x8000, $0x38;
	[tilespmem:$0x10480] =	vst v63  }
0x70: {  	s21 =	sadd.s32 $0xC00000, s8  }
0x71: {  	[hbm4b:s21+s3] =	stream.linear.scatter [tilespmem:s24], [sflag:$0x3], $0x8000, $0x38;
	[tilespmem:$0x10480] =	vst v63  }
0x72: {  	s21 =	simm.s32 @!p0 $0x4  }
0x73: {  	_ =	swait.ge @!p0 [sflag:s21], $0x8000  }
0x74: {  	[sflag:s21] =	ssyncset.done @!p0 $0x0  }
0x75: {  	[sflag:s21] =	ssyncadd.s32 @!p0 $0xFFFF8000  }
0x76: {  	_ =	swait.ge @!p0 [sflag:s21], $0x8000  }
0x77: {  	[sflag:s21] =	ssyncset.done @!p0 $0x0  }
0x78: {  	[sflag:s21] =	ssyncadd.s32 @!p0 $0xFFFF8000  }
0x79: {  	_ =	swait.ge @!p0 [sflag:s21], $0x8000  }
0x7a: {  	[sflag:s21] =	ssyncset.done @!p0 $0x0  }
0x7b: {  	[sflag:s21] =	ssyncadd.s32 @!p0 $0xFFFF8000  }
0x7c: {  	_ =	swait.ge @!p0 [sflag:s21], $0x8000  }
0x7d: {  	[sflag:s21] =	ssyncset.done @!p0 $0x0  }
0x7e: {  	[sflag:s21] =	ssyncadd.s32 @!p0 $0xFFFF8000  }
0x7f: {  	v4 =	vld.msk [tilespmem:$0x408], $0xff;
	_ =	sdelay $0x4  }
0x80: {  	v5 =	vshll.u32 v4, $0x5  }
0x81: {  	v4 =	vand.u32 $0x7, v4;
	v5 =	vand.u32 $0xFFFFFF00, v5  }
0x82: {  	v4 =	vor.u32 v4, v5  }
0x83: {  	v4 =	vperm.xlane v4, v1;
	_ =	sdelay $0x1  }
0x84: {  	v4 =	vadd.s32 v2, v4;
	_ =	sdelay $0x4  }
0x85: {  	[tilespmem:s6], [sflag:$0x2] =	stream.indirect_vreg.gather [hbm4b:s1+s3], $0x80, v4, vm0, $0xb8;
	[tilespmem:$0x10480] =	vst v63  }
0x86: {  	s21 =	simm.s32 $0x8C80  }
0x87: {  	[tilespmem:s21], [sflag:$0x2] =	stream.indirect_vreg.gather [hbm4b:s11+s3], $0x80, v4, vm0, $0xb8;
	[tilespmem:$0x10480] =	vst v63  }
0x88: {  	s21 =	simm.s32 $0x9480  }
0x89: {  	[tilespmem:s21], [sflag:$0x2] =	stream.indirect_vreg.gather [hbm4b:s12+s3], $0x80, v4, vm0, $0xb8;
	[tilespmem:$0x10480] =	vst v63  }
0x8a: {  	s21 =	simm.s32 $0x9C80  }
0x8b: {  	[tilespmem:s21], [sflag:$0x2] =	stream.indirect_vreg.gather [hbm4b:s13+s3], $0x80, v4, vm0, $0xb8;
	[tilespmem:$0x10480] =	vst v63  }
0x8c: {  	s21 =	simm.s32 $0xA480  }
0x8d: {  	[tilespmem:s21], [sflag:$0x2] =	stream.indirect_vreg.gather [hbm4b:s14+s3], $0x80, v4, vm0, $0xb8;
	[tilespmem:$0x10480] =	vst v63  }
0x8e: {  	s21 =	simm.s32 $0xAC80  }
0x8f: {  	[tilespmem:s21], [sflag:$0x2] =	stream.indirect_vreg.gather [hbm4b:s22+s3], $0x80, v4, vm0, $0xb8;
	[tilespmem:$0x10480] =	vst v63  }
0x90: {  	s21 =	simm.s32 $0xB480  }
0x91: {  	[tilespmem:s21], [sflag:$0x2] =	stream.indirect_vreg.gather [hbm4b:s23+s3], $0x80, v4, vm0, $0xb8;
	[tilespmem:$0x10480] =	vst v63  }
0x92: {  	s21 =	simm.s32 $0xBC80  }
0x93: {  	[tilespmem:s21], [sflag:$0x2] =	stream.indirect_vreg.gather [hbm4b:s15+s3], $0x80, v4, vm0, $0xb8;
	[tilespmem:$0x10480] =	vst v63  }
0x94: {  	s21 =	simm.s32 $0xC480  }
0x95: {  	[tilespmem:s21], [sflag:$0x2] =	stream.indirect_vreg.gather [hbm4b:s16+s3], $0x80, v4, vm0, $0xb8;
	[tilespmem:$0x10480] =	vst v63  }
0x96: {  	s21 =	simm.s32 $0xCC80  }
0x97: {  	[tilespmem:s21], [sflag:$0x2] =	stream.indirect_vreg.gather [hbm4b:s17+s3], $0x80, v4, vm0, $0xb8;
	[tilespmem:$0x10480] =	vst v63  }
0x98: {  	s21 =	simm.s32 $0xD480  }
0x99: {  	[tilespmem:s21], [sflag:$0x2] =	stream.indirect_vreg.gather [hbm4b:s18+s3], $0x80, v4, vm0, $0xb8;
	[tilespmem:$0x10480] =	vst v63  }
0x9a: {  	s21 =	simm.s32 $0xDC80  }
0x9b: {  	[tilespmem:s21], [sflag:$0x2] =	stream.indirect_vreg.gather [hbm4b:s19+s3], $0x80, v4, vm0, $0xb8;
	[tilespmem:$0x10480] =	vst v63  }
0x9c: {  	s21 =	simm.s32 $0xE480  }
0x9d: {  	[tilespmem:s21], [sflag:$0x2] =	stream.indirect_vreg.gather [hbm4b:s20+s3], $0x80, v4, vm0, $0xb8;
	[tilespmem:$0x10480] =	vst v63  }
0x9e: {  	s21 =	simm.s32 $0xEC80  }
0x9f: {  	[tilespmem:s21], [sflag:$0x2] =	stream.indirect_vreg.gather [hbm4b:s26+s3], $0x80, v4, vm0, $0xb8;
	[tilespmem:$0x10480] =	vst v63  }
0xa0: {  	s21 =	simm.s32 $0xF480  }
0xa1: {  	[tilespmem:s21], [sflag:$0x2] =	stream.indirect_vreg.gather [hbm4b:s28+s3], $0x80, v4, vm0, $0xb8;
	[tilespmem:$0x10480] =	vst v63  }
0xa2: {  	s21 =	simm.s32 $0xFC80  }
0xa3: {  	[tilespmem:s21], [sflag:$0x2] =	stream.indirect_vreg.gather [hbm4b:s29+s3], $0x80, v4, vm0, $0xb8;
	[tilespmem:$0x10480] =	vst v63  }
0xa4: {  	_ =	swait.ge [sflag:s2], $0x8000  }
0xa5: {  	[sflag:s2] =	ssyncset.done $0x0  }
0xa6: {  	s7 =	sadd.s32 $0x2000, s7;
	s21 =	sadd.s32 $0x1000, s8;
	[sflag:s2] =	ssyncadd.s32 $0xFFFF8000  }
0xa7: {  	[hbm4b:s21+s3] =	stream.linear.scatter [tilespmem:s6], [sflag:$0x4], $0x8000, $0x38;
	[tilespmem:$0x10480] =	vst v63  }
0xa8: {  	p0 =	sne.s32 s7, $0x20000;
	s21 =	sadd.s32 $0x401000, s8  }
0xa9: {  	[hbm4b:s21+s3] =	stream.linear.scatter [tilespmem:s6], [sflag:$0x4], $0x8000, $0x38;
	[tilespmem:$0x10480] =	vst v63  }
.Ltmp2:
0xaa: {  	_ = 	snop;
	(pc) =	sbr.rel @p0 .LBB2_2-.Ltmp2, $4  }
0xab: {  	s21 =	sadd.s32 $0x801000, s8  }
0xac: {  	[hbm4b:s21+s3] =	stream.linear.scatter [tilespmem:s6], [sflag:$0x4], $0x8000, $0x38;
	[tilespmem:$0x10480] =	vst v63  }
0xad: {  	s4 =	sadd.s32 $0x10, s4;
	s8 =	sadd.s32 $0xC01000, s8  }
0xae: {  	[hbm4b:s8+s3] =	stream.linear.scatter [tilespmem:s6], [sflag:$0x4], $0x8000, $0x38;
	[tilespmem:$0x10480] =	vst v63  }
0xaf: {  	s0 =	simm.s32 $0x3  }
0xb0: {  	_ =	swait.ge [sflag:s0], $0x8000  }
0xb1: {  	[sflag:s0] =	ssyncset.done $0x0  }
0xb2: {  	[sflag:s0] =	ssyncadd.s32 $0xFFFF8000  }
0xb3: {  	_ =	swait.ge [sflag:s0], $0x8000  }
0xb4: {  	[sflag:s0] =	ssyncset.done $0x0  }
0xb5: {  	[sflag:s0] =	ssyncadd.s32 $0xFFFF8000  }
0xb6: {  	_ =	swait.ge [sflag:s0], $0x8000  }
0xb7: {  	[sflag:s0] =	ssyncset.done $0x0  }
0xb8: {  	[sflag:s0] =	ssyncadd.s32 $0xFFFF8000  }
0xb9: {  	_ =	swait.ge [sflag:s0], $0x8000  }
0xba: {  	[sflag:s0] =	ssyncset.done $0x0  }
0xbb: {  	s30 =	simm.s32 $0x4;
	[sflag:s0] =	ssyncadd.s32 $0xFFFF8000  }
0xbc: {  	_ =	swait.ge [sflag:s30], $0x8000  }
0xbd: {  	[sflag:s30] =	ssyncset.done $0x0  }
0xbe: {  	[sflag:s30] =	ssyncadd.s32 $0xFFFF8000  }
0xbf: {  	_ =	swait.ge [sflag:s30], $0x8000  }
0xc0: {  	[sflag:s30] =	ssyncset.done $0x0  }
0xc1: {  	[sflag:s30] =	ssyncadd.s32 $0xFFFF8000  }
0xc2: {  	_ =	swait.ge [sflag:s30], $0x8000  }
0xc3: {  	[sflag:s30] =	ssyncset.done $0x0  }
0xc4: {  	[sflag:s30] =	ssyncadd.s32 $0xFFFF8000  }
0xc5: {  	_ =	swait.ge [sflag:s30], $0x8000  }
0xc6: {  	[sflag:s30] =	ssyncset.done $0x0  }
0xc7: {  	s31 =	simm.s32 $0x5;
	[sflag:s30] =	ssyncadd.s32 $0xFFFF8000  }
0xc8: {  	_ =	swait.ge [sflag:s31], $0x100  }
0xc9: {  	[sflag:s31] =	ssyncset.done $0x0  }
0xca: {  	[sflag:s31] =	ssyncadd.s32 $0xFFFFFF00  }
0xcb: {  	_ =	swait.ge [sflag:s31], $0x100  }
0xcc: {  	[sflag:s31] =	ssyncset.done $0x0  }
0xcd: {  	[sflag:s31] =	ssyncadd.s32 $0xFFFFFF00  }
0xce: {  	_ =	swait.ge [sflag:s31], $0x100  }
0xcf: {  	[sflag:s31] =	ssyncset.done $0x0  }
0xd0: {  	[sflag:s31] =	ssyncadd.s32 $0xFFFFFF00  }
0xd1: {  	s4 =	simm.s32 $0x0;
	_ =	swait.ge [sflag:s31], $0x100  }
0xd2: {  	s6 =	simm.s32 $0x480;
	[sflag:s31] =	ssyncset.done $0x0;
	s7 =	rddreg [dreg:$0x15]  }
0xd3: {  	s24 =	simm.s32 $0x4C80;
	s8 =	rddreg [dreg:$0x4];
	[sflag:s31] =	ssyncadd.s32 $0xFFFFFF00  }
.LBB2_4:
0xd4: {  	s21 =	sshra.s32 s4, $0x2  }
0xd5: {  	v4 =	vld [tilespmem:s21+$0x0];
	_ =	sdelay $0x4  }
0xd6: {  	(v2sf) =	vpush v4, $0x0  }
0xd7: {  	(v2sf) =	vpush v4, $0x1  }
0xd8: {  	(v2sf) =	vpush v4, $0x2  }
0xd9: {  	(v2sf) =	vpush v4, $0x3  }
0xda: {  	(v2sf) =	vpush v4, $0x4  }
0xdb: {  	(v2sf) =	vpush v4, $0x5  }
0xdc: {  	(v2sf) =	vpush v4, $0x6  }
0xdd: {  	(v2sf) =	vpush v4, $0x7  }
0xde: {  	(v2sf) =	vpush v4, $0x8  }
0xdf: {  	(v2sf) =	vpush v4, $0x9  }
0xe0: {  	(v2sf) =	vpush v4, $0xA  }
0xe1: {  	(v2sf) =	vpush v4, $0xB  }
0xe2: {  	(v2sf) =	vpush v4, $0xC  }
0xe3: {  	(v2sf) =	vpush v4, $0xD  }
0xe4: {  	(v2sf) =	vpush v4, $0xE  }
0xe5: {  	s21 =	spop (v2sf);
	(v2sf) =	vpush v4, $0xF  }
0xe6: {  	s25 =	spop (v2sf)  }
0xe7: {  	s30 =	spop (v2sf)  }
0xe8: {  	s31 =	spop (v2sf)  }
0xe9: {  	s0 =	spop (v2sf)  }
0xea: {  	s2 =	spop (v2sf)  }
0xeb: {  	s1 =	spop (v2sf)  }
0xec: {  	s22 =	spop (v2sf)  }
0xed: {  	s23 =	spop (v2sf)  }
0xee: {  	s5 =	spop (v2sf)  }
0xef: {  	s9 =	spop (v2sf)  }
0xf0: {  	s10 =	spop (v2sf)  }
0xf1: {  	s11 =	spop (v2sf)  }
0xf2: {  	s12 =	spop (v2sf)  }
0xf3: {  	s13 =	spop (v2sf)  }
0xf4: {  	s14 =	spop (v2sf)  }
0xf5: {  	p0 =	seq.s32 s14, $0x0  }
0xf6: {  	p1 =	seq.s32 @!p0 s13, $0x0  }
0xf7: {  	p0 =	por p0, p1  }
0xf8: {  	p1 =	seq.s32 @!p0 s12, $0x0  }
0xf9: {  	p0 =	por p0, p1  }
0xfa: {  	p1 =	seq.s32 @!p0 s11, $0x0  }
0xfb: {  	p0 =	por p0, p1  }
0xfc: {  	p1 =	seq.s32 @!p0 s10, $0x0  }
0xfd: {  	p0 =	por p0, p1  }
0xfe: {  	p1 =	seq.s32 @!p0 s9, $0x0  }
0xff: {  	p0 =	por p0, p1  }
0x100: {  	p1 =	seq.s32 @!p0 s5, $0x0  }
0x101: {  	p0 =	por p0, p1  }
0x102: {  	p1 =	seq.s32 @!p0 s23, $0x0  }
0x103: {  	p0 =	por p0, p1  }
0x104: {  	p1 =	seq.s32 @!p0 s22, $0x0  }
0x105: {  	p0 =	por p0, p1  }
0x106: {  	p1 =	seq.s32 @!p0 s1, $0x0  }
0x107: {  	p0 =	por p0, p1  }
0x108: {  	p1 =	seq.s32 @!p0 s2, $0x0  }
0x109: {  	p0 =	por p0, p1  }
0x10a: {  	p1 =	seq.s32 @!p0 s0, $0x0  }
0x10b: {  	p0 =	por p0, p1  }
0x10c: {  	p1 =	seq.s32 @!p0 s31, $0x0  }
0x10d: {  	p0 =	por p0, p1  }
0x10e: {  	p1 =	seq.s32 @!p0 s30, $0x0  }
0x10f: {  	p0 =	por p0, p1  }
0x110: {  	p1 =	seq.s32 @!p0 s21, $0x0  }
0x111: {  	p0 =	por p0, p1  }
0x112: {  	p1 =	sne.s32 @!p0 s25, $0x0  }
0x113: {  	p0 =	por p0, !p1  }
.Ltmp3:
0x114: {  	_ = 	snop;
	(pc) =	sbr.rel @p0 .LBB2_5-.Ltmp3, $1  }
0x115: {  	_ =	sdelay $0x3  }
.LBB2_6:
0x116: {  	s4 =	sadd.s32 $0x40, s4  }
0x117: {  	p0 =	sne.s32 s4, $0x400  }
.Ltmp4:
0x118: {  	_ = 	snop;
	(pc) =	sbr.rel @p0 .LBB2_4-.Ltmp4, $4  }
.Ltmp5:
0x119: {  	_ = 	snop;
	(pc) =	sbr.rel @!p0 .LBB2_7-.Ltmp5, $4  }
0x11a: {  	_ = 	snop  }
0x11b: {  	_ = 	snop  }
0x11c: {  	s8 =	sadd.s32 $0x10, s8;
	s7 =	sadd.s32 $0x2000, s7  }
0x11d: {  	_ = 	snop  }
.LBB2_5:
0x11e: {  	vm1 =	veq.s32 v4, $0x0;
	v4 =	vadd.s32 s8, v3  }
0x11f: {  	v4 =	vsel vm1, $0x0, v4  }
0x120: {  	[tilespmem:$0x400] =	vst v4  }
0x121: {  	v4 =	vld.msk [tilespmem:$0x400], $0xff;
	_ =	sdelay $0x4  }
0x122: {  	v5 =	vshll.u32 v4, $0x5  }
0x123: {  	v4 =	vand.u32 $0x7, v4;
	v5 =	vand.u32 $0xFFFFFF00, v5  }
0x124: {  	v4 =	vor.u32 v4, v5  }
0x125: {  	v4 =	vperm.xlane v4, v1;
	_ =	sdelay $0x1  }
0x126: {  	v4 =	vadd.s32 v2, v4;
	_ =	sdelay $0x3  }
0x127: {  	s1 =	rddreg [dreg:$0x1]  }
0x128: {  	[tilespmem:s6], [sflag:$0x1] =	stream.indirect_vreg.gather [hbm4b:s1+s3], $0x80, v4, vm0, $0xb8;
	[tilespmem:$0x10480] =	vst v63  }
0x129: {  	s2 =	rddreg [dreg:$0x9];
	s0 =	simm.s32 $0xC80  }
0x12a: {  	[tilespmem:s0], [sflag:$0x1] =	stream.indirect_vreg.gather [hbm4b:s2+s3], $0x80, v4, vm0, $0xb8;
	[tilespmem:$0x10480] =	vst v63  }
0x12b: {  	s5 =	rddreg [dreg:$0xa];
	s10 =	simm.s32 $0x1480  }
0x12c: {  	[tilespmem:s10], [sflag:$0x1] =	stream.indirect_vreg.gather [hbm4b:s5+s3], $0x80, v4, vm0, $0xb8;
	[tilespmem:$0x10480] =	vst v63  }
0x12d: {  	s9 =	rddreg [dreg:$0xb];
	s11 =	simm.s32 $0x1C80  }
0x12e: {  	[tilespmem:s11], [sflag:$0x1] =	stream.indirect_vreg.gather [hbm4b:s9+s3], $0x80, v4, vm0, $0xb8;
	[tilespmem:$0x10480] =	vst v63  }
0x12f: {  	s12 =	simm.s32 $0x2480;
	s10 =	rddreg [dreg:$0xc]  }
0x130: {  	[tilespmem:s12], [sflag:$0x1] =	stream.indirect_vreg.gather [hbm4b:s10+s3], $0x80, v4, vm0, $0xb8;
	[tilespmem:$0x10480] =	vst v63  }
0x131: {  	s13 =	simm.s32 $0x2C80;
	s11 =	rddreg [dreg:$0xd]  }
0x132: {  	[tilespmem:s13], [sflag:$0x1] =	stream.indirect_vreg.gather [hbm4b:s11+s3], $0x80, v4, vm0, $0xb8;
	[tilespmem:$0x10480] =	vst v63  }
0x133: {  	s14 =	simm.s32 $0x3480;
	s12 =	rddreg [dreg:$0xe]  }
0x134: {  	[tilespmem:s14], [sflag:$0x1] =	stream.indirect_vreg.gather [hbm4b:s12+s3], $0x80, v4, vm0, $0xb8;
	[tilespmem:$0x10480] =	vst v63  }
0x135: {  	s21 =	simm.s32 $0x3C80  }
0x136: {  	[tilespmem:s21], [sflag:$0x1] =	stream.indirect_vreg.gather [hbm4b:s15+s3], $0x80, v4, vm0, $0xb8;
	[tilespmem:$0x10480] =	vst v63  }
0x137: {  	s22 =	simm.s32 $0x4480  }
0x138: {  	[tilespmem:s22], [sflag:$0x1] =	stream.indirect_vreg.gather [hbm4b:s16+s3], $0x80, v4, vm0, $0xb8;
	[tilespmem:$0x10480] =	vst v63  }
0x139: {  	_ = 	snop  }
0x13a: {  	[tilespmem:s24], [sflag:$0x1] =	stream.indirect_vreg.gather [hbm4b:s17+s3], $0x80, v4, vm0, $0xb8;
	[tilespmem:$0x10480] =	vst v63  }
0x13b: {  	s23 =	simm.s32 $0x5480  }
0x13c: {  	[tilespmem:s23], [sflag:$0x1] =	stream.indirect_vreg.gather [hbm4b:s18+s3], $0x80, v4, vm0, $0xb8;
	[tilespmem:$0x10480] =	vst v63  }
0x13d: {  	s25 =	simm.s32 $0x5C80  }
0x13e: {  	[tilespmem:s25], [sflag:$0x1] =	stream.indirect_vreg.gather [hbm4b:s19+s3], $0x80, v4, vm0, $0xb8;
	[tilespmem:$0x10480] =	vst v63  }
0x13f: {  	s30 =	simm.s32 $0x6480  }
0x140: {  	[tilespmem:s30], [sflag:$0x1] =	stream.indirect_vreg.gather [hbm4b:s20+s3], $0x80, v4, vm0, $0xb8;
	[tilespmem:$0x10480] =	vst v63  }
0x141: {  	s31 =	simm.s32 $0x6C80  }
0x142: {  	[tilespmem:s31], [sflag:$0x1] =	stream.indirect_vreg.gather [hbm4b:s26+s3], $0x80, v4, vm0, $0xb8;
	[tilespmem:$0x10480] =	vst v63  }
0x143: {  	s13 =	simm.s32 $0x7480  }
0x144: {  	[tilespmem:s13], [sflag:$0x1] =	stream.indirect_vreg.gather [hbm4b:s28+s3], $0x80, v4, vm0, $0xb8;
	[tilespmem:$0x10480] =	vst v63  }
0x145: {  	s14 =	simm.s32 $0x7C80;
	s21 =	simm.s32 $0x1  }
0x146: {  	[tilespmem:s14], [sflag:$0x1] =	stream.indirect_vreg.gather [hbm4b:s29+s3], $0x80, v4, vm0, $0xb8;
	[tilespmem:$0x10480] =	vst v63  }
0x147: {  	_ =	swait.ge [sflag:s21], $0x8000  }
0x148: {  	[sflag:s21] =	ssyncset.done $0x0  }
0x149: {  	s22 =	sadd.s32 $0xFFFFF000, s7;
	s23 =	simm.s32 $0x7;
	[sflag:s21] =	ssyncadd.s32 $0xFFFF8000  }
0x14a: {  	[hbm4b:s22+s3] =	stream.linear.scatter [tilespmem:s6], [sflag:$0x7], $0x8000, $0x38;
	[tilespmem:$0x10480] =	vst v63  }
0x14b: {  	_ =	swait.ge [sflag:s23], $0x8000  }
0x14c: {  	[sflag:s23] =	ssyncset.done $0x0  }
0x14d: {  	[sflag:s23] =	ssyncadd.s32 $0xFFFF8000  }
0x14e: {  	v4 =	vld.msk [tilespmem:$0x408], $0xff;
	_ =	sdelay $0x4  }
0x14f: {  	v5 =	vshll.u32 v4, $0x5  }
0x150: {  	v4 =	vand.u32 $0x7, v4;
	v5 =	vand.u32 $0xFFFFFF00, v5  }
0x151: {  	v4 =	vor.u32 v4, v5  }
0x152: {  	v4 =	vperm.xlane v4, v1;
	_ =	sdelay $0x1  }
0x153: {  	v4 =	vadd.s32 v2, v4;
	_ =	sdelay $0x3  }
0x154: {  	s0 =	simm.s32 $0x8480  }
0x155: {  	[tilespmem:s0], [sflag:$0x2] =	stream.indirect_vreg.gather [hbm4b:s1+s3], $0x80, v4, vm0, $0xb8;
	[tilespmem:$0x10480] =	vst v63  }
0x156: {  	s25 =	simm.s32 $0x8C80  }
0x157: {  	[tilespmem:s25], [sflag:$0x2] =	stream.indirect_vreg.gather [hbm4b:s2+s3], $0x80, v4, vm0, $0xb8;
	[tilespmem:$0x10480] =	vst v63  }
0x158: {  	s30 =	simm.s32 $0x9480  }
0x159: {  	[tilespmem:s30], [sflag:$0x2] =	stream.indirect_vreg.gather [hbm4b:s5+s3], $0x80, v4, vm0, $0xb8;
	[tilespmem:$0x10480] =	vst v63  }
0x15a: {  	s31 =	simm.s32 $0x9C80  }
0x15b: {  	[tilespmem:s31], [sflag:$0x2] =	stream.indirect_vreg.gather [hbm4b:s9+s3], $0x80, v4, vm0, $0xb8;
	[tilespmem:$0x10480] =	vst v63  }
0x15c: {  	s2 =	simm.s32 $0xA480  }
0x15d: {  	[tilespmem:s2], [sflag:$0x2] =	stream.indirect_vreg.gather [hbm4b:s10+s3], $0x80, v4, vm0, $0xb8;
	[tilespmem:$0x10480] =	vst v63  }
0x15e: {  	s5 =	simm.s32 $0xAC80  }
0x15f: {  	[tilespmem:s5], [sflag:$0x2] =	stream.indirect_vreg.gather [hbm4b:s11+s3], $0x80, v4, vm0, $0xb8;
	[tilespmem:$0x10480] =	vst v63  }
0x160: {  	s9 =	simm.s32 $0xB480  }
0x161: {  	[tilespmem:s9], [sflag:$0x2] =	stream.indirect_vreg.gather [hbm4b:s12+s3], $0x80, v4, vm0, $0xb8;
	[tilespmem:$0x10480] =	vst v63  }
0x162: {  	s10 =	simm.s32 $0xBC80  }
0x163: {  	[tilespmem:s10], [sflag:$0x2] =	stream.indirect_vreg.gather [hbm4b:s15+s3], $0x80, v4, vm0, $0xb8;
	[tilespmem:$0x10480] =	vst v63  }
0x164: {  	s11 =	simm.s32 $0xC480  }
0x165: {  	[tilespmem:s11], [sflag:$0x2] =	stream.indirect_vreg.gather [hbm4b:s16+s3], $0x80, v4, vm0, $0xb8;
	[tilespmem:$0x10480] =	vst v63  }
0x166: {  	s12 =	simm.s32 $0xCC80  }
0x167: {  	[tilespmem:s12], [sflag:$0x2] =	stream.indirect_vreg.gather [hbm4b:s17+s3], $0x80, v4, vm0, $0xb8;
	[tilespmem:$0x10480] =	vst v63  }
0x168: {  	s13 =	simm.s32 $0xD480  }
0x169: {  	[tilespmem:s13], [sflag:$0x2] =	stream.indirect_vreg.gather [hbm4b:s18+s3], $0x80, v4, vm0, $0xb8;
	[tilespmem:$0x10480] =	vst v63  }
0x16a: {  	s14 =	simm.s32 $0xDC80  }
0x16b: {  	[tilespmem:s14], [sflag:$0x2] =	stream.indirect_vreg.gather [hbm4b:s19+s3], $0x80, v4, vm0, $0xb8;
	[tilespmem:$0x10480] =	vst v63  }
0x16c: {  	s21 =	simm.s32 $0xE480  }
0x16d: {  	[tilespmem:s21], [sflag:$0x2] =	stream.indirect_vreg.gather [hbm4b:s20+s3], $0x80, v4, vm0, $0xb8;
	[tilespmem:$0x10480] =	vst v63  }
0x16e: {  	s22 =	simm.s32 $0xEC80  }
0x16f: {  	[tilespmem:s22], [sflag:$0x2] =	stream.indirect_vreg.gather [hbm4b:s26+s3], $0x80, v4, vm0, $0xb8;
	[tilespmem:$0x10480] =	vst v63  }
0x170: {  	s23 =	simm.s32 $0xF480  }
0x171: {  	[tilespmem:s23], [sflag:$0x2] =	stream.indirect_vreg.gather [hbm4b:s28+s3], $0x80, v4, vm0, $0xb8;
	[tilespmem:$0x10480] =	vst v63  }
0x172: {  	s25 =	simm.s32 $0xFC80;
	s30 =	simm.s32 $0x2  }
0x173: {  	[tilespmem:s25], [sflag:$0x2] =	stream.indirect_vreg.gather [hbm4b:s29+s3], $0x80, v4, vm0, $0xb8;
	[tilespmem:$0x10480] =	vst v63  }
0x174: {  	_ =	swait.ge [sflag:s30], $0x8000  }
0x175: {  	[sflag:s30] =	ssyncset.done $0x0  }
.Ltmp6:
0x176: {  	s31 =	simm.s32 $0x6;
	[sflag:s30] =	ssyncadd.s32 $0xFFFF8000;
	(pc) =	sbr.rel .LBB2_6-.Ltmp6, $4  }
0x177: {  	[hbm4b:s7+s3] =	stream.linear.scatter [tilespmem:s0], [sflag:$0x6], $0x8000, $0x38;
	[tilespmem:$0x10480] =	vst v63  }
0x178: {  	_ =	swait.ge [sflag:s31], $0x8000  }
0x179: {  	[sflag:s31] =	ssyncset.done $0x0  }
0x17a: {  	[sflag:s31] =	ssyncadd.s32 $0xFFFF8000  }
.LBB2_7:
0x17b: {  	s7 =	rddreg [dreg:$0x16]  }
0x17c: {  	s4 =	simm.s32 $0x0;
	s8 =	rddreg [dreg:$0x11]  }
.LBB2_8:
0x17d: {  	s0 =	sand.u32 $0xF0, s4  }
0x17e: {  	v4 =	vld [tilespmem:s0+$0x100];
	_ =	sdelay $0x4  }
0x17f: {  	(v2sf) =	vpush v4, $0x0  }
0x180: {  	(v2sf) =	vpush v4, $0x1  }
0x181: {  	(v2sf) =	vpush v4, $0x2  }
0x182: {  	(v2sf) =	vpush v4, $0x3  }
0x183: {  	(v2sf) =	vpush v4, $0x4  }
0x184: {  	(v2sf) =	vpush v4, $0x5  }
0x185: {  	(v2sf) =	vpush v4, $0x6  }
0x186: {  	(v2sf) =	vpush v4, $0x7  }
0x187: {  	(v2sf) =	vpush v4, $0x8  }
0x188: {  	(v2sf) =	vpush v4, $0x9  }
0x189: {  	(v2sf) =	vpush v4, $0xA  }
0x18a: {  	(v2sf) =	vpush v4, $0xB  }
0x18b: {  	(v2sf) =	vpush v4, $0xC  }
0x18c: {  	(v2sf) =	vpush v4, $0xD  }
0x18d: {  	(v2sf) =	vpush v4, $0xE  }
0x18e: {  	s0 =	spop (v2sf);
	(v2sf) =	vpush v4, $0xF  }
0x18f: {  	s1 =	spop (v2sf)  }
0x190: {  	s2 =	spop (v2sf)  }
0x191: {  	s5 =	spop (v2sf)  }
0x192: {  	s9 =	spop (v2sf)  }
0x193: {  	s10 =	spop (v2sf)  }
0x194: {  	s11 =	spop (v2sf)  }
0x195: {  	s12 =	spop (v2sf)  }
0x196: {  	s13 =	spop (v2sf)  }
0x197: {  	s14 =	spop (v2sf)  }
0x198: {  	s21 =	spop (v2sf)  }
0x199: {  	s22 =	spop (v2sf)  }
0x19a: {  	s23 =	spop (v2sf)  }
0x19b: {  	s25 =	spop (v2sf)  }
0x19c: {  	s30 =	spop (v2sf)  }
0x19d: {  	s31 =	spop (v2sf)  }
0x19e: {  	p0 =	seq.s32 s31, $0x0  }
0x19f: {  	p1 =	seq.s32 @!p0 s30, $0x0  }
0x1a0: {  	p0 =	por p0, p1  }
0x1a1: {  	p1 =	seq.s32 @!p0 s25, $0x0  }
0x1a2: {  	p0 =	por p0, p1  }
0x1a3: {  	p1 =	seq.s32 @!p0 s23, $0x0  }
0x1a4: {  	p0 =	por p0, p1  }
0x1a5: {  	p1 =	seq.s32 @!p0 s22, $0x0  }
0x1a6: {  	p0 =	por p0, p1  }
0x1a7: {  	p1 =	seq.s32 @!p0 s21, $0x0  }
0x1a8: {  	p0 =	por p0, p1  }
0x1a9: {  	p1 =	seq.s32 @!p0 s14, $0x0  }
0x1aa: {  	p0 =	por p0, p1  }
0x1ab: {  	p1 =	seq.s32 @!p0 s13, $0x0  }
0x1ac: {  	p0 =	por p0, p1  }
0x1ad: {  	p1 =	seq.s32 @!p0 s12, $0x0  }
0x1ae: {  	p0 =	por p0, p1  }
0x1af: {  	p1 =	seq.s32 @!p0 s11, $0x0  }
0x1b0: {  	p0 =	por p0, p1  }
0x1b1: {  	p1 =	seq.s32 @!p0 s10, $0x0  }
0x1b2: {  	p0 =	por p0, p1  }
0x1b3: {  	p1 =	seq.s32 @!p0 s9, $0x0  }
0x1b4: {  	p0 =	por p0, p1  }
0x1b5: {  	p1 =	seq.s32 @!p0 s5, $0x0  }
0x1b6: {  	p0 =	por p0, p1  }
0x1b7: {  	p1 =	seq.s32 @!p0 s2, $0x0  }
0x1b8: {  	p0 =	por p0, p1  }
0x1b9: {  	p1 =	seq.s32 @!p0 s0, $0x0  }
0x1ba: {  	p0 =	por p0, p1  }
0x1bb: {  	p1 =	sne.s32 @!p0 s1, $0x0  }
0x1bc: {  	p0 =	por p0, !p1  }
.Ltmp7:
0x1bd: {  	_ = 	snop;
	(pc) =	sbr.rel @p0 .LBB2_9-.Ltmp7, $1  }
0x1be: {  	_ =	sdelay $0x3  }
.LBB2_10:
0x1bf: {  	s4 =	sadd.s32 $0x10, s4  }
0x1c0: {  	p0 =	sne.s32 s4, $0x100  }
.Ltmp8:
0x1c1: {  	_ = 	snop;
	(pc) =	sbr.rel @p0 .LBB2_8-.Ltmp8, $4  }
.Ltmp9:
0x1c2: {  	_ = 	snop;
	(pc) =	sbr.rel @!p0 .LBB2_11-.Ltmp9, $4  }
0x1c3: {  	_ = 	snop  }
0x1c4: {  	_ = 	snop  }
0x1c5: {  	s8 =	sadd.s32 $0x2000, s8;
	s7 =	sadd.s32 $0x2000, s7  }
0x1c6: {  	_ = 	snop  }
.LBB2_9:
0x1c7: {  	s0 =	rddreg [dreg:$0x4]  }
0x1c8: {  	s0 =	sadd.s32 s4, s0  }
0x1c9: {  	vm1 =	veq.s32 v4, $0x0;
	v5 =	vadd.s32 s0, v3  }
0x1ca: {  	v4 =	vsel vm1, $0x0, v5  }
0x1cb: {  	[tilespmem:$0x400] =	vst v4  }
0x1cc: {  	v4 =	vld.msk [tilespmem:$0x400], $0xff;
	_ =	sdelay $0x4  }
0x1cd: {  	v5 =	vshll.u32 v4, $0x5  }
0x1ce: {  	v4 =	vand.u32 $0x7, v4;
	v5 =	vand.u32 $0xFFFFFF00, v5  }
0x1cf: {  	v4 =	vor.u32 v4, v5  }
0x1d0: {  	v4 =	vperm.xlane v4, v1;
	_ =	sdelay $0x1  }
0x1d1: {  	v4 =	vadd.s32 v2, v4;
	_ =	sdelay $0x3  }
0x1d2: {  	s0 =	rddreg [dreg:$0x1]  }
0x1d3: {  	[tilespmem:s6], [sflag:$0x1] =	stream.indirect_vreg.gather [hbm4b:s0+s3], $0x80, v4, vm0, $0xb8;
	[tilespmem:$0x10480] =	vst v63  }
0x1d4: {  	s1 =	rddreg [dreg:$0x9];
	s2 =	simm.s32 $0xC80  }
0x1d5: {  	[tilespmem:s2], [sflag:$0x1] =	stream.indirect_vreg.gather [hbm4b:s1+s3], $0x80, v4, vm0, $0xb8;
	[tilespmem:$0x10480] =	vst v63  }
0x1d6: {  	s5 =	simm.s32 $0x1480;
	s2 =	rddreg [dreg:$0xa]  }
0x1d7: {  	[tilespmem:s5], [sflag:$0x1] =	stream.indirect_vreg.gather [hbm4b:s2+s3], $0x80, v4, vm0, $0xb8;
	[tilespmem:$0x10480] =	vst v63  }
0x1d8: {  	s9 =	simm.s32 $0x1C80;
	s5 =	rddreg [dreg:$0xb]  }
0x1d9: {  	[tilespmem:s9], [sflag:$0x1] =	stream.indirect_vreg.gather [hbm4b:s5+s3], $0x80, v4, vm0, $0xb8;
	[tilespmem:$0x10480] =	vst v63  }
0x1da: {  	s10 =	simm.s32 $0x2480;
	s9 =	rddreg [dreg:$0xc]  }
0x1db: {  	[tilespmem:s10], [sflag:$0x1] =	stream.indirect_vreg.gather [hbm4b:s9+s3], $0x80, v4, vm0, $0xb8;
	[tilespmem:$0x10480] =	vst v63  }
0x1dc: {  	s11 =	simm.s32 $0x2C80;
	s10 =	rddreg [dreg:$0xd]  }
0x1dd: {  	[tilespmem:s11], [sflag:$0x1] =	stream.indirect_vreg.gather [hbm4b:s10+s3], $0x80, v4, vm0, $0xb8;
	[tilespmem:$0x10480] =	vst v63  }
0x1de: {  	s12 =	simm.s32 $0x3480;
	s11 =	rddreg [dreg:$0xe]  }
0x1df: {  	[tilespmem:s12], [sflag:$0x1] =	stream.indirect_vreg.gather [hbm4b:s11+s3], $0x80, v4, vm0, $0xb8;
	[tilespmem:$0x10480] =	vst v63  }
0x1e0: {  	s22 =	simm.s32 $0x3C80  }
0x1e1: {  	[tilespmem:s22], [sflag:$0x1] =	stream.indirect_vreg.gather [hbm4b:s15+s3], $0x80, v4, vm0, $0xb8;
	[tilespmem:$0x10480] =	vst v63  }
0x1e2: {  	s23 =	simm.s32 $0x4480  }
0x1e3: {  	[tilespmem:s23], [sflag:$0x1] =	stream.indirect_vreg.gather [hbm4b:s16+s3], $0x80, v4, vm0, $0xb8;
	[tilespmem:$0x10480] =	vst v63  }
0x1e4: {  	_ = 	snop  }
0x1e5: {  	[tilespmem:s24], [sflag:$0x1] =	stream.indirect_vreg.gather [hbm4b:s17+s3], $0x80, v4, vm0, $0xb8;
	[tilespmem:$0x10480] =	vst v63  }
0x1e6: {  	s25 =	simm.s32 $0x5480  }
0x1e7: {  	[tilespmem:s25], [sflag:$0x1] =	stream.indirect_vreg.gather [hbm4b:s18+s3], $0x80, v4, vm0, $0xb8;
	[tilespmem:$0x10480] =	vst v63  }
0x1e8: {  	s30 =	simm.s32 $0x5C80  }
0x1e9: {  	[tilespmem:s30], [sflag:$0x1] =	stream.indirect_vreg.gather [hbm4b:s19+s3], $0x80, v4, vm0, $0xb8;
	[tilespmem:$0x10480] =	vst v63  }
0x1ea: {  	s31 =	simm.s32 $0x6480  }
0x1eb: {  	[tilespmem:s31], [sflag:$0x1] =	stream.indirect_vreg.gather [hbm4b:s20+s3], $0x80, v4, vm0, $0xb8;
	[tilespmem:$0x10480] =	vst v63  }
0x1ec: {  	s13 =	simm.s32 $0x6C80  }
0x1ed: {  	[tilespmem:s13], [sflag:$0x1] =	stream.indirect_vreg.gather [hbm4b:s26+s3], $0x80, v4, vm0, $0xb8;
	[tilespmem:$0x10480] =	vst v63  }
0x1ee: {  	s14 =	simm.s32 $0x7480  }
0x1ef: {  	[tilespmem:s14], [sflag:$0x1] =	stream.indirect_vreg.gather [hbm4b:s28+s3], $0x80, v4, vm0, $0xb8;
	[tilespmem:$0x10480] =	vst v63  }
0x1f0: {  	s21 =	simm.s32 $0x7C80;
	s22 =	simm.s32 $0x1  }
0x1f1: {  	[tilespmem:s21], [sflag:$0x1] =	stream.indirect_vreg.gather [hbm4b:s29+s3], $0x80, v4, vm0, $0xb8;
	[tilespmem:$0x10480] =	vst v63  }
0x1f2: {  	_ =	swait.ge [sflag:s22], $0x8000  }
0x1f3: {  	[sflag:s22] =	ssyncset.done $0x0  }
0x1f4: {  	s23 =	simm.s32 $0x7;
	[sflag:s22] =	ssyncadd.s32 $0xFFFF8000  }
0x1f5: {  	[hbm4b:s7+s3] =	stream.linear.scatter [tilespmem:s6], [sflag:$0x7], $0x8000, $0x38;
	[tilespmem:$0x10480] =	vst v63  }
0x1f6: {  	_ =	swait.ge [sflag:s23], $0x8000  }
0x1f7: {  	[sflag:s23] =	ssyncset.done $0x0  }
0x1f8: {  	[sflag:s23] =	ssyncadd.s32 $0xFFFF8000  }
0x1f9: {  	v4 =	vld.msk [tilespmem:$0x408], $0xff;
	_ =	sdelay $0x4  }
0x1fa: {  	v5 =	vshll.u32 v4, $0x5  }
0x1fb: {  	v4 =	vand.u32 $0x7, v4;
	v5 =	vand.u32 $0xFFFFFF00, v5  }
0x1fc: {  	v4 =	vor.u32 v4, v5  }
0x1fd: {  	v4 =	vperm.xlane v4, v1;
	_ =	sdelay $0x1  }
0x1fe: {  	v4 =	vadd.s32 v2, v4;
	_ =	sdelay $0x3  }
0x1ff: {  	s12 =	simm.s32 $0x8480  }
0x200: {  	[tilespmem:s12], [sflag:$0x2] =	stream.indirect_vreg.gather [hbm4b:s0+s3], $0x80, v4, vm0, $0xb8;
	[tilespmem:$0x10480] =	vst v63  }
0x201: {  	s25 =	simm.s32 $0x8C80  }
0x202: {  	[tilespmem:s25], [sflag:$0x2] =	stream.indirect_vreg.gather [hbm4b:s1+s3], $0x80, v4, vm0, $0xb8;
	[tilespmem:$0x10480] =	vst v63  }
0x203: {  	s30 =	simm.s32 $0x9480  }
0x204: {  	[tilespmem:s30], [sflag:$0x2] =	stream.indirect_vreg.gather [hbm4b:s2+s3], $0x80, v4, vm0, $0xb8;
	[tilespmem:$0x10480] =	vst v63  }
0x205: {  	s31 =	simm.s32 $0x9C80  }
0x206: {  	[tilespmem:s31], [sflag:$0x2] =	stream.indirect_vreg.gather [hbm4b:s5+s3], $0x80, v4, vm0, $0xb8;
	[tilespmem:$0x10480] =	vst v63  }
0x207: {  	s1 =	simm.s32 $0xA480  }
0x208: {  	[tilespmem:s1], [sflag:$0x2] =	stream.indirect_vreg.gather [hbm4b:s9+s3], $0x80, v4, vm0, $0xb8;
	[tilespmem:$0x10480] =	vst v63  }
0x209: {  	s2 =	simm.s32 $0xAC80  }
0x20a: {  	[tilespmem:s2], [sflag:$0x2] =	stream.indirect_vreg.gather [hbm4b:s10+s3], $0x80, v4, vm0, $0xb8;
	[tilespmem:$0x10480] =	vst v63  }
0x20b: {  	s5 =	simm.s32 $0xB480  }
0x20c: {  	[tilespmem:s5], [sflag:$0x2] =	stream.indirect_vreg.gather [hbm4b:s11+s3], $0x80, v4, vm0, $0xb8;
	[tilespmem:$0x10480] =	vst v63  }
0x20d: {  	s9 =	simm.s32 $0xBC80  }
0x20e: {  	[tilespmem:s9], [sflag:$0x2] =	stream.indirect_vreg.gather [hbm4b:s15+s3], $0x80, v4, vm0, $0xb8;
	[tilespmem:$0x10480] =	vst v63  }
0x20f: {  	s10 =	simm.s32 $0xC480  }
0x210: {  	[tilespmem:s10], [sflag:$0x2] =	stream.indirect_vreg.gather [hbm4b:s16+s3], $0x80, v4, vm0, $0xb8;
	[tilespmem:$0x10480] =	vst v63  }
0x211: {  	s11 =	simm.s32 $0xCC80  }
0x212: {  	[tilespmem:s11], [sflag:$0x2] =	stream.indirect_vreg.gather [hbm4b:s17+s3], $0x80, v4, vm0, $0xb8;
	[tilespmem:$0x10480] =	vst v63  }
0x213: {  	s13 =	simm.s32 $0xD480  }
0x214: {  	[tilespmem:s13], [sflag:$0x2] =	stream.indirect_vreg.gather [hbm4b:s18+s3], $0x80, v4, vm0, $0xb8;
	[tilespmem:$0x10480] =	vst v63  }
0x215: {  	s14 =	simm.s32 $0xDC80  }
0x216: {  	[tilespmem:s14], [sflag:$0x2] =	stream.indirect_vreg.gather [hbm4b:s19+s3], $0x80, v4, vm0, $0xb8;
	[tilespmem:$0x10480] =	vst v63  }
0x217: {  	s21 =	simm.s32 $0xE480  }
0x218: {  	[tilespmem:s21], [sflag:$0x2] =	stream.indirect_vreg.gather [hbm4b:s20+s3], $0x80, v4, vm0, $0xb8;
	[tilespmem:$0x10480] =	vst v63  }
0x219: {  	s22 =	simm.s32 $0xEC80  }
0x21a: {  	[tilespmem:s22], [sflag:$0x2] =	stream.indirect_vreg.gather [hbm4b:s26+s3], $0x80, v4, vm0, $0xb8;
	[tilespmem:$0x10480] =	vst v63  }
0x21b: {  	s23 =	simm.s32 $0xF480  }
0x21c: {  	[tilespmem:s23], [sflag:$0x2] =	stream.indirect_vreg.gather [hbm4b:s28+s3], $0x80, v4, vm0, $0xb8;
	[tilespmem:$0x10480] =	vst v63  }
0x21d: {  	s25 =	simm.s32 $0xFC80;
	s30 =	simm.s32 $0x2  }
0x21e: {  	[tilespmem:s25], [sflag:$0x2] =	stream.indirect_vreg.gather [hbm4b:s29+s3], $0x80, v4, vm0, $0xb8;
	[tilespmem:$0x10480] =	vst v63  }
0x21f: {  	_ =	swait.ge [sflag:s30], $0x8000  }
0x220: {  	[sflag:s30] =	ssyncset.done $0x0  }
.Ltmp10:
0x221: {  	s31 =	simm.s32 $0x6;
	[sflag:s30] =	ssyncadd.s32 $0xFFFF8000;
	(pc) =	sbr.rel .LBB2_10-.Ltmp10, $4  }
0x222: {  	[hbm4b:s8+s3] =	stream.linear.scatter [tilespmem:s12], [sflag:$0x6], $0x8000, $0x38;
	[tilespmem:$0x10480] =	vst v63  }
0x223: {  	_ =	swait.ge [sflag:s31], $0x8000  }
0x224: {  	[sflag:s31] =	ssyncset.done $0x0  }
0x225: {  	[sflag:s31] =	ssyncadd.s32 $0xFFFF8000  }
.LBB2_11:
0x226: {  	s7 =	rddreg [dreg:$0x17]  }
0x227: {  	s4 =	simm.s32 $0x0;
	s8 =	rddreg [dreg:$0x12]  }
.LBB2_12:
0x228: {  	s0 =	sand.u32 $0xF0, s4  }
0x229: {  	v4 =	vld [tilespmem:s0+$0x200];
	_ =	sdelay $0x4  }
0x22a: {  	(v2sf) =	vpush v4, $0x0  }
0x22b: {  	(v2sf) =	vpush v4, $0x1  }
0x22c: {  	(v2sf) =	vpush v4, $0x2  }
0x22d: {  	(v2sf) =	vpush v4, $0x3  }
0x22e: {  	(v2sf) =	vpush v4, $0x4  }
0x22f: {  	(v2sf) =	vpush v4, $0x5  }
0x230: {  	(v2sf) =	vpush v4, $0x6  }
0x231: {  	(v2sf) =	vpush v4, $0x7  }
0x232: {  	(v2sf) =	vpush v4, $0x8  }
0x233: {  	(v2sf) =	vpush v4, $0x9  }
0x234: {  	(v2sf) =	vpush v4, $0xA  }
0x235: {  	(v2sf) =	vpush v4, $0xB  }
0x236: {  	(v2sf) =	vpush v4, $0xC  }
0x237: {  	(v2sf) =	vpush v4, $0xD  }
0x238: {  	(v2sf) =	vpush v4, $0xE  }
0x239: {  	s0 =	spop (v2sf);
	(v2sf) =	vpush v4, $0xF  }
0x23a: {  	s1 =	spop (v2sf)  }
0x23b: {  	s2 =	spop (v2sf)  }
0x23c: {  	s5 =	spop (v2sf)  }
0x23d: {  	s9 =	spop (v2sf)  }
0x23e: {  	s10 =	spop (v2sf)  }
0x23f: {  	s11 =	spop (v2sf)  }
0x240: {  	s12 =	spop (v2sf)  }
0x241: {  	s13 =	spop (v2sf)  }
0x242: {  	s14 =	spop (v2sf)  }
0x243: {  	s21 =	spop (v2sf)  }
0x244: {  	s22 =	spop (v2sf)  }
0x245: {  	s23 =	spop (v2sf)  }
0x246: {  	s25 =	spop (v2sf)  }
0x247: {  	s30 =	spop (v2sf)  }
0x248: {  	s31 =	spop (v2sf)  }
0x249: {  	p0 =	seq.s32 s31, $0x0  }
0x24a: {  	p1 =	seq.s32 @!p0 s30, $0x0  }
0x24b: {  	p0 =	por p0, p1  }
0x24c: {  	p1 =	seq.s32 @!p0 s25, $0x0  }
0x24d: {  	p0 =	por p0, p1  }
0x24e: {  	p1 =	seq.s32 @!p0 s23, $0x0  }
0x24f: {  	p0 =	por p0, p1  }
0x250: {  	p1 =	seq.s32 @!p0 s22, $0x0  }
0x251: {  	p0 =	por p0, p1  }
0x252: {  	p1 =	seq.s32 @!p0 s21, $0x0  }
0x253: {  	p0 =	por p0, p1  }
0x254: {  	p1 =	seq.s32 @!p0 s14, $0x0  }
0x255: {  	p0 =	por p0, p1  }
0x256: {  	p1 =	seq.s32 @!p0 s13, $0x0  }
0x257: {  	p0 =	por p0, p1  }
0x258: {  	p1 =	seq.s32 @!p0 s12, $0x0  }
0x259: {  	p0 =	por p0, p1  }
0x25a: {  	p1 =	seq.s32 @!p0 s11, $0x0  }
0x25b: {  	p0 =	por p0, p1  }
0x25c: {  	p1 =	seq.s32 @!p0 s10, $0x0  }
0x25d: {  	p0 =	por p0, p1  }
0x25e: {  	p1 =	seq.s32 @!p0 s9, $0x0  }
0x25f: {  	p0 =	por p0, p1  }
0x260: {  	p1 =	seq.s32 @!p0 s5, $0x0  }
0x261: {  	p0 =	por p0, p1  }
0x262: {  	p1 =	seq.s32 @!p0 s2, $0x0  }
0x263: {  	p0 =	por p0, p1  }
0x264: {  	p1 =	seq.s32 @!p0 s0, $0x0  }
0x265: {  	p0 =	por p0, p1  }
0x266: {  	p1 =	sne.s32 @!p0 s1, $0x0  }
0x267: {  	p0 =	por p0, !p1  }
.Ltmp11:
0x268: {  	_ = 	snop;
	(pc) =	sbr.rel @p0 .LBB2_13-.Ltmp11, $1  }
0x269: {  	_ =	sdelay $0x3  }
.LBB2_14:
0x26a: {  	s4 =	sadd.s32 $0x10, s4  }
0x26b: {  	p0 =	sne.s32 s4, $0x100  }
.Ltmp12:
0x26c: {  	_ = 	snop;
	(pc) =	sbr.rel @p0 .LBB2_12-.Ltmp12, $4  }
.Ltmp13:
0x26d: {  	_ = 	snop;
	(pc) =	sbr.rel @!p0 .LBB2_15-.Ltmp13, $4  }
0x26e: {  	_ = 	snop  }
0x26f: {  	_ = 	snop  }
0x270: {  	s8 =	sadd.s32 $0x2000, s8;
	s7 =	sadd.s32 $0x2000, s7  }
0x271: {  	_ = 	snop  }
.LBB2_13:
0x272: {  	s0 =	rddreg [dreg:$0x4]  }
0x273: {  	s0 =	sadd.s32 s4, s0  }
0x274: {  	vm1 =	veq.s32 v4, $0x0;
	v5 =	vadd.s32 s0, v3  }
0x275: {  	v4 =	vsel vm1, $0x0, v5  }
0x276: {  	[tilespmem:$0x400] =	vst v4  }
0x277: {  	v4 =	vld.msk [tilespmem:$0x400], $0xff;
	_ =	sdelay $0x4  }
0x278: {  	v5 =	vshll.u32 v4, $0x5  }
0x279: {  	v4 =	vand.u32 $0x7, v4;
	v5 =	vand.u32 $0xFFFFFF00, v5  }
0x27a: {  	v4 =	vor.u32 v4, v5  }
0x27b: {  	v4 =	vperm.xlane v4, v1;
	_ =	sdelay $0x1  }
0x27c: {  	v4 =	vadd.s32 v2, v4;
	_ =	sdelay $0x3  }
0x27d: {  	s0 =	rddreg [dreg:$0x1]  }
0x27e: {  	[tilespmem:s6], [sflag:$0x1] =	stream.indirect_vreg.gather [hbm4b:s0+s3], $0x80, v4, vm0, $0xb8;
	[tilespmem:$0x10480] =	vst v63  }
0x27f: {  	s1 =	rddreg [dreg:$0x9];
	s2 =	simm.s32 $0xC80  }
0x280: {  	[tilespmem:s2], [sflag:$0x1] =	stream.indirect_vreg.gather [hbm4b:s1+s3], $0x80, v4, vm0, $0xb8;
	[tilespmem:$0x10480] =	vst v63  }
0x281: {  	s5 =	simm.s32 $0x1480;
	s2 =	rddreg [dreg:$0xa]  }
0x282: {  	[tilespmem:s5], [sflag:$0x1] =	stream.indirect_vreg.gather [hbm4b:s2+s3], $0x80, v4, vm0, $0xb8;
	[tilespmem:$0x10480] =	vst v63  }
0x283: {  	s9 =	simm.s32 $0x1C80;
	s5 =	rddreg [dreg:$0xb]  }
0x284: {  	[tilespmem:s9], [sflag:$0x1] =	stream.indirect_vreg.gather [hbm4b:s5+s3], $0x80, v4, vm0, $0xb8;
	[tilespmem:$0x10480] =	vst v63  }
0x285: {  	s10 =	simm.s32 $0x2480;
	s9 =	rddreg [dreg:$0xc]  }
0x286: {  	[tilespmem:s10], [sflag:$0x1] =	stream.indirect_vreg.gather [hbm4b:s9+s3], $0x80, v4, vm0, $0xb8;
	[tilespmem:$0x10480] =	vst v63  }
0x287: {  	s11 =	simm.s32 $0x2C80;
	s10 =	rddreg [dreg:$0xd]  }
0x288: {  	[tilespmem:s11], [sflag:$0x1] =	stream.indirect_vreg.gather [hbm4b:s10+s3], $0x80, v4, vm0, $0xb8;
	[tilespmem:$0x10480] =	vst v63  }
0x289: {  	s12 =	simm.s32 $0x3480;
	s11 =	rddreg [dreg:$0xe]  }
0x28a: {  	[tilespmem:s12], [sflag:$0x1] =	stream.indirect_vreg.gather [hbm4b:s11+s3], $0x80, v4, vm0, $0xb8;
	[tilespmem:$0x10480] =	vst v63  }
0x28b: {  	s22 =	simm.s32 $0x3C80  }
0x28c: {  	[tilespmem:s22], [sflag:$0x1] =	stream.indirect_vreg.gather [hbm4b:s15+s3], $0x80, v4, vm0, $0xb8;
	[tilespmem:$0x10480] =	vst v63  }
0x28d: {  	s23 =	simm.s32 $0x4480  }
0x28e: {  	[tilespmem:s23], [sflag:$0x1] =	stream.indirect_vreg.gather [hbm4b:s16+s3], $0x80, v4, vm0, $0xb8;
	[tilespmem:$0x10480] =	vst v63  }
0x28f: {  	_ = 	snop  }
0x290: {  	[tilespmem:s24], [sflag:$0x1] =	stream.indirect_vreg.gather [hbm4b:s17+s3], $0x80, v4, vm0, $0xb8;
	[tilespmem:$0x10480] =	vst v63  }
0x291: {  	s25 =	simm.s32 $0x5480  }
0x292: {  	[tilespmem:s25], [sflag:$0x1] =	stream.indirect_vreg.gather [hbm4b:s18+s3], $0x80, v4, vm0, $0xb8;
	[tilespmem:$0x10480] =	vst v63  }
0x293: {  	s30 =	simm.s32 $0x5C80  }
0x294: {  	[tilespmem:s30], [sflag:$0x1] =	stream.indirect_vreg.gather [hbm4b:s19+s3], $0x80, v4, vm0, $0xb8;
	[tilespmem:$0x10480] =	vst v63  }
0x295: {  	s31 =	simm.s32 $0x6480  }
0x296: {  	[tilespmem:s31], [sflag:$0x1] =	stream.indirect_vreg.gather [hbm4b:s20+s3], $0x80, v4, vm0, $0xb8;
	[tilespmem:$0x10480] =	vst v63  }
0x297: {  	s13 =	simm.s32 $0x6C80  }
0x298: {  	[tilespmem:s13], [sflag:$0x1] =	stream.indirect_vreg.gather [hbm4b:s26+s3], $0x80, v4, vm0, $0xb8;
	[tilespmem:$0x10480] =	vst v63  }
0x299: {  	s14 =	simm.s32 $0x7480  }
0x29a: {  	[tilespmem:s14], [sflag:$0x1] =	stream.indirect_vreg.gather [hbm4b:s28+s3], $0x80, v4, vm0, $0xb8;
	[tilespmem:$0x10480] =	vst v63  }
0x29b: {  	s21 =	simm.s32 $0x7C80;
	s22 =	simm.s32 $0x1  }
0x29c: {  	[tilespmem:s21], [sflag:$0x1] =	stream.indirect_vreg.gather [hbm4b:s29+s3], $0x80, v4, vm0, $0xb8;
	[tilespmem:$0x10480] =	vst v63  }
0x29d: {  	_ =	swait.ge [sflag:s22], $0x8000  }
0x29e: {  	[sflag:s22] =	ssyncset.done $0x0  }
0x29f: {  	s23 =	simm.s32 $0x7;
	[sflag:s22] =	ssyncadd.s32 $0xFFFF8000  }
0x2a0: {  	[hbm4b:s7+s3] =	stream.linear.scatter [tilespmem:s6], [sflag:$0x7], $0x8000, $0x38;
	[tilespmem:$0x10480] =	vst v63  }
0x2a1: {  	_ =	swait.ge [sflag:s23], $0x8000  }
0x2a2: {  	[sflag:s23] =	ssyncset.done $0x0  }
0x2a3: {  	[sflag:s23] =	ssyncadd.s32 $0xFFFF8000  }
0x2a4: {  	v4 =	vld.msk [tilespmem:$0x408], $0xff;
	_ =	sdelay $0x4  }
0x2a5: {  	v5 =	vshll.u32 v4, $0x5  }
0x2a6: {  	v4 =	vand.u32 $0x7, v4;
	v5 =	vand.u32 $0xFFFFFF00, v5  }
0x2a7: {  	v4 =	vor.u32 v4, v5  }
0x2a8: {  	v4 =	vperm.xlane v4, v1;
	_ =	sdelay $0x1  }
0x2a9: {  	v4 =	vadd.s32 v2, v4;
	_ =	sdelay $0x3  }
0x2aa: {  	s12 =	simm.s32 $0x8480  }
0x2ab: {  	[tilespmem:s12], [sflag:$0x2] =	stream.indirect_vreg.gather [hbm4b:s0+s3], $0x80, v4, vm0, $0xb8;
	[tilespmem:$0x10480] =	vst v63  }
0x2ac: {  	s25 =	simm.s32 $0x8C80  }
0x2ad: {  	[tilespmem:s25], [sflag:$0x2] =	stream.indirect_vreg.gather [hbm4b:s1+s3], $0x80, v4, vm0, $0xb8;
	[tilespmem:$0x10480] =	vst v63  }
0x2ae: {  	s30 =	simm.s32 $0x9480  }
0x2af: {  	[tilespmem:s30], [sflag:$0x2] =	stream.indirect_vreg.gather [hbm4b:s2+s3], $0x80, v4, vm0, $0xb8;
	[tilespmem:$0x10480] =	vst v63  }
0x2b0: {  	s31 =	simm.s32 $0x9C80  }
0x2b1: {  	[tilespmem:s31], [sflag:$0x2] =	stream.indirect_vreg.gather [hbm4b:s5+s3], $0x80, v4, vm0, $0xb8;
	[tilespmem:$0x10480] =	vst v63  }
0x2b2: {  	s1 =	simm.s32 $0xA480  }
0x2b3: {  	[tilespmem:s1], [sflag:$0x2] =	stream.indirect_vreg.gather [hbm4b:s9+s3], $0x80, v4, vm0, $0xb8;
	[tilespmem:$0x10480] =	vst v63  }
0x2b4: {  	s2 =	simm.s32 $0xAC80  }
0x2b5: {  	[tilespmem:s2], [sflag:$0x2] =	stream.indirect_vreg.gather [hbm4b:s10+s3], $0x80, v4, vm0, $0xb8;
	[tilespmem:$0x10480] =	vst v63  }
0x2b6: {  	s5 =	simm.s32 $0xB480  }
0x2b7: {  	[tilespmem:s5], [sflag:$0x2] =	stream.indirect_vreg.gather [hbm4b:s11+s3], $0x80, v4, vm0, $0xb8;
	[tilespmem:$0x10480] =	vst v63  }
0x2b8: {  	s9 =	simm.s32 $0xBC80  }
0x2b9: {  	[tilespmem:s9], [sflag:$0x2] =	stream.indirect_vreg.gather [hbm4b:s15+s3], $0x80, v4, vm0, $0xb8;
	[tilespmem:$0x10480] =	vst v63  }
0x2ba: {  	s10 =	simm.s32 $0xC480  }
0x2bb: {  	[tilespmem:s10], [sflag:$0x2] =	stream.indirect_vreg.gather [hbm4b:s16+s3], $0x80, v4, vm0, $0xb8;
	[tilespmem:$0x10480] =	vst v63  }
0x2bc: {  	s11 =	simm.s32 $0xCC80  }
0x2bd: {  	[tilespmem:s11], [sflag:$0x2] =	stream.indirect_vreg.gather [hbm4b:s17+s3], $0x80, v4, vm0, $0xb8;
	[tilespmem:$0x10480] =	vst v63  }
0x2be: {  	s13 =	simm.s32 $0xD480  }
0x2bf: {  	[tilespmem:s13], [sflag:$0x2] =	stream.indirect_vreg.gather [hbm4b:s18+s3], $0x80, v4, vm0, $0xb8;
	[tilespmem:$0x10480] =	vst v63  }
0x2c0: {  	s14 =	simm.s32 $0xDC80  }
0x2c1: {  	[tilespmem:s14], [sflag:$0x2] =	stream.indirect_vreg.gather [hbm4b:s19+s3], $0x80, v4, vm0, $0xb8;
	[tilespmem:$0x10480] =	vst v63  }
0x2c2: {  	s21 =	simm.s32 $0xE480  }
0x2c3: {  	[tilespmem:s21], [sflag:$0x2] =	stream.indirect_vreg.gather [hbm4b:s20+s3], $0x80, v4, vm0, $0xb8;
	[tilespmem:$0x10480] =	vst v63  }
0x2c4: {  	s22 =	simm.s32 $0xEC80  }
0x2c5: {  	[tilespmem:s22], [sflag:$0x2] =	stream.indirect_vreg.gather [hbm4b:s26+s3], $0x80, v4, vm0, $0xb8;
	[tilespmem:$0x10480] =	vst v63  }
0x2c6: {  	s23 =	simm.s32 $0xF480  }
0x2c7: {  	[tilespmem:s23], [sflag:$0x2] =	stream.indirect_vreg.gather [hbm4b:s28+s3], $0x80, v4, vm0, $0xb8;
	[tilespmem:$0x10480] =	vst v63  }
0x2c8: {  	s25 =	simm.s32 $0xFC80;
	s30 =	simm.s32 $0x2  }
0x2c9: {  	[tilespmem:s25], [sflag:$0x2] =	stream.indirect_vreg.gather [hbm4b:s29+s3], $0x80, v4, vm0, $0xb8;
	[tilespmem:$0x10480] =	vst v63  }
0x2ca: {  	_ =	swait.ge [sflag:s30], $0x8000  }
0x2cb: {  	[sflag:s30] =	ssyncset.done $0x0  }
.Ltmp14:
0x2cc: {  	s31 =	simm.s32 $0x6;
	[sflag:s30] =	ssyncadd.s32 $0xFFFF8000;
	(pc) =	sbr.rel .LBB2_14-.Ltmp14, $4  }
0x2cd: {  	[hbm4b:s8+s3] =	stream.linear.scatter [tilespmem:s12], [sflag:$0x6], $0x8000, $0x38;
	[tilespmem:$0x10480] =	vst v63  }
0x2ce: {  	_ =	swait.ge [sflag:s31], $0x8000  }
0x2cf: {  	[sflag:s31] =	ssyncset.done $0x0  }
0x2d0: {  	[sflag:s31] =	ssyncadd.s32 $0xFFFF8000  }
.LBB2_15:
0x2d1: {  	s7 =	rddreg [dreg:$0x18]  }
0x2d2: {  	s4 =	simm.s32 $0x0;
	s8 =	rddreg [dreg:$0x13]  }
.LBB2_16:
0x2d3: {  	s0 =	sand.u32 $0xF0, s4  }
0x2d4: {  	v4 =	vld [tilespmem:s0+$0x300];
	_ =	sdelay $0x4  }
0x2d5: {  	(v2sf) =	vpush v4, $0x0  }
0x2d6: {  	(v2sf) =	vpush v4, $0x1  }
0x2d7: {  	(v2sf) =	vpush v4, $0x2  }
0x2d8: {  	(v2sf) =	vpush v4, $0x3  }
0x2d9: {  	(v2sf) =	vpush v4, $0x4  }
0x2da: {  	(v2sf) =	vpush v4, $0x5  }
0x2db: {  	(v2sf) =	vpush v4, $0x6  }
0x2dc: {  	(v2sf) =	vpush v4, $0x7  }
0x2dd: {  	(v2sf) =	vpush v4, $0x8  }
0x2de: {  	(v2sf) =	vpush v4, $0x9  }
0x2df: {  	(v2sf) =	vpush v4, $0xA  }
0x2e0: {  	(v2sf) =	vpush v4, $0xB  }
0x2e1: {  	(v2sf) =	vpush v4, $0xC  }
0x2e2: {  	(v2sf) =	vpush v4, $0xD  }
0x2e3: {  	(v2sf) =	vpush v4, $0xE  }
0x2e4: {  	s0 =	spop (v2sf);
	(v2sf) =	vpush v4, $0xF  }
0x2e5: {  	s1 =	spop (v2sf)  }
0x2e6: {  	s2 =	spop (v2sf)  }
0x2e7: {  	s5 =	spop (v2sf)  }
0x2e8: {  	s9 =	spop (v2sf)  }
0x2e9: {  	s10 =	spop (v2sf)  }
0x2ea: {  	s11 =	spop (v2sf)  }
0x2eb: {  	s12 =	spop (v2sf)  }
0x2ec: {  	s13 =	spop (v2sf)  }
0x2ed: {  	s14 =	spop (v2sf)  }
0x2ee: {  	s21 =	spop (v2sf)  }
0x2ef: {  	s22 =	spop (v2sf)  }
0x2f0: {  	s23 =	spop (v2sf)  }
0x2f1: {  	s25 =	spop (v2sf)  }
0x2f2: {  	s30 =	spop (v2sf)  }
0x2f3: {  	s31 =	spop (v2sf)  }
0x2f4: {  	p0 =	seq.s32 s31, $0x0  }
0x2f5: {  	p1 =	seq.s32 @!p0 s30, $0x0  }
0x2f6: {  	p0 =	por p0, p1  }
0x2f7: {  	p1 =	seq.s32 @!p0 s25, $0x0  }
0x2f8: {  	p0 =	por p0, p1  }
0x2f9: {  	p1 =	seq.s32 @!p0 s23, $0x0  }
0x2fa: {  	p0 =	por p0, p1  }
0x2fb: {  	p1 =	seq.s32 @!p0 s22, $0x0  }
0x2fc: {  	p0 =	por p0, p1  }
0x2fd: {  	p1 =	seq.s32 @!p0 s21, $0x0  }
0x2fe: {  	p0 =	por p0, p1  }
0x2ff: {  	p1 =	seq.s32 @!p0 s14, $0x0  }
0x300: {  	p0 =	por p0, p1  }
0x301: {  	p1 =	seq.s32 @!p0 s13, $0x0  }
0x302: {  	p0 =	por p0, p1  }
0x303: {  	p1 =	seq.s32 @!p0 s12, $0x0  }
0x304: {  	p0 =	por p0, p1  }
0x305: {  	p1 =	seq.s32 @!p0 s11, $0x0  }
0x306: {  	p0 =	por p0, p1  }
0x307: {  	p1 =	seq.s32 @!p0 s10, $0x0  }
0x308: {  	p0 =	por p0, p1  }
0x309: {  	p1 =	seq.s32 @!p0 s9, $0x0  }
0x30a: {  	p0 =	por p0, p1  }
0x30b: {  	p1 =	seq.s32 @!p0 s5, $0x0  }
0x30c: {  	p0 =	por p0, p1  }
0x30d: {  	p1 =	seq.s32 @!p0 s2, $0x0  }
0x30e: {  	p0 =	por p0, p1  }
0x30f: {  	p1 =	seq.s32 @!p0 s0, $0x0  }
0x310: {  	p0 =	por p0, p1  }
0x311: {  	p1 =	sne.s32 @!p0 s1, $0x0  }
0x312: {  	p0 =	por p0, !p1  }
.Ltmp15:
0x313: {  	_ = 	snop;
	(pc) =	sbr.rel @p0 .LBB2_17-.Ltmp15, $1  }
0x314: {  	_ =	sdelay $0x3  }
.LBB2_18:
0x315: {  	s4 =	sadd.s32 $0x10, s4  }
0x316: {  	p0 =	sne.s32 s4, $0x100  }
.Ltmp16:
0x317: {  	_ = 	snop;
	(pc) =	sbr.rel @p0 .LBB2_16-.Ltmp16, $4  }
.Ltmp17:
0x318: {  	_ = 	snop;
	(pc) =	sbr.rel @!p0 .LBB2_19-.Ltmp17, $4  }
0x319: {  	_ = 	snop  }
0x31a: {  	_ = 	snop  }
0x31b: {  	s8 =	sadd.s32 $0x2000, s8;
	s7 =	sadd.s32 $0x2000, s7  }
0x31c: {  	_ = 	snop  }
.LBB2_17:
0x31d: {  	s0 =	rddreg [dreg:$0x4]  }
0x31e: {  	s0 =	sadd.s32 s4, s0  }
0x31f: {  	vm1 =	veq.s32 v4, $0x0;
	v5 =	vadd.s32 s0, v3  }
0x320: {  	v4 =	vsel vm1, $0x0, v5  }
0x321: {  	[tilespmem:$0x400] =	vst v4  }
0x322: {  	v4 =	vld.msk [tilespmem:$0x400], $0xff;
	_ =	sdelay $0x4  }
0x323: {  	v5 =	vshll.u32 v4, $0x5  }
0x324: {  	v4 =	vand.u32 $0x7, v4;
	v5 =	vand.u32 $0xFFFFFF00, v5  }
0x325: {  	v4 =	vor.u32 v4, v5  }
0x326: {  	v4 =	vperm.xlane v4, v1;
	_ =	sdelay $0x1  }
0x327: {  	v4 =	vadd.s32 v2, v4;
	_ =	sdelay $0x3  }
0x328: {  	s0 =	rddreg [dreg:$0x1]  }
0x329: {  	[tilespmem:s6], [sflag:$0x1] =	stream.indirect_vreg.gather [hbm4b:s0+s3], $0x80, v4, vm0, $0xb8;
	[tilespmem:$0x10480] =	vst v63  }
0x32a: {  	s1 =	rddreg [dreg:$0x9];
	s2 =	simm.s32 $0xC80  }
0x32b: {  	[tilespmem:s2], [sflag:$0x1] =	stream.indirect_vreg.gather [hbm4b:s1+s3], $0x80, v4, vm0, $0xb8;
	[tilespmem:$0x10480] =	vst v63  }
0x32c: {  	s5 =	simm.s32 $0x1480;
	s2 =	rddreg [dreg:$0xa]  }
0x32d: {  	[tilespmem:s5], [sflag:$0x1] =	stream.indirect_vreg.gather [hbm4b:s2+s3], $0x80, v4, vm0, $0xb8;
	[tilespmem:$0x10480] =	vst v63  }
0x32e: {  	s9 =	simm.s32 $0x1C80;
	s5 =	rddreg [dreg:$0xb]  }
0x32f: {  	[tilespmem:s9], [sflag:$0x1] =	stream.indirect_vreg.gather [hbm4b:s5+s3], $0x80, v4, vm0, $0xb8;
	[tilespmem:$0x10480] =	vst v63  }
0x330: {  	s10 =	simm.s32 $0x2480;
	s9 =	rddreg [dreg:$0xc]  }
0x331: {  	[tilespmem:s10], [sflag:$0x1] =	stream.indirect_vreg.gather [hbm4b:s9+s3], $0x80, v4, vm0, $0xb8;
	[tilespmem:$0x10480] =	vst v63  }
0x332: {  	s11 =	simm.s32 $0x2C80;
	s10 =	rddreg [dreg:$0xd]  }
0x333: {  	[tilespmem:s11], [sflag:$0x1] =	stream.indirect_vreg.gather [hbm4b:s10+s3], $0x80, v4, vm0, $0xb8;
	[tilespmem:$0x10480] =	vst v63  }
0x334: {  	s12 =	simm.s32 $0x3480;
	s11 =	rddreg [dreg:$0xe]  }
0x335: {  	[tilespmem:s12], [sflag:$0x1] =	stream.indirect_vreg.gather [hbm4b:s11+s3], $0x80, v4, vm0, $0xb8;
	[tilespmem:$0x10480] =	vst v63  }
0x336: {  	s22 =	simm.s32 $0x3C80  }
0x337: {  	[tilespmem:s22], [sflag:$0x1] =	stream.indirect_vreg.gather [hbm4b:s15+s3], $0x80, v4, vm0, $0xb8;
	[tilespmem:$0x10480] =	vst v63  }
0x338: {  	s23 =	simm.s32 $0x4480  }
0x339: {  	[tilespmem:s23], [sflag:$0x1] =	stream.indirect_vreg.gather [hbm4b:s16+s3], $0x80, v4, vm0, $0xb8;
	[tilespmem:$0x10480] =	vst v63  }
0x33a: {  	_ = 	snop  }
0x33b: {  	[tilespmem:s24], [sflag:$0x1] =	stream.indirect_vreg.gather [hbm4b:s17+s3], $0x80, v4, vm0, $0xb8;
	[tilespmem:$0x10480] =	vst v63  }
0x33c: {  	s25 =	simm.s32 $0x5480  }
0x33d: {  	[tilespmem:s25], [sflag:$0x1] =	stream.indirect_vreg.gather [hbm4b:s18+s3], $0x80, v4, vm0, $0xb8;
	[tilespmem:$0x10480] =	vst v63  }
0x33e: {  	s30 =	simm.s32 $0x5C80  }
0x33f: {  	[tilespmem:s30], [sflag:$0x1] =	stream.indirect_vreg.gather [hbm4b:s19+s3], $0x80, v4, vm0, $0xb8;
	[tilespmem:$0x10480] =	vst v63  }
0x340: {  	s31 =	simm.s32 $0x6480  }
0x341: {  	[tilespmem:s31], [sflag:$0x1] =	stream.indirect_vreg.gather [hbm4b:s20+s3], $0x80, v4, vm0, $0xb8;
	[tilespmem:$0x10480] =	vst v63  }
0x342: {  	s13 =	simm.s32 $0x6C80  }
0x343: {  	[tilespmem:s13], [sflag:$0x1] =	stream.indirect_vreg.gather [hbm4b:s26+s3], $0x80, v4, vm0, $0xb8;
	[tilespmem:$0x10480] =	vst v63  }
0x344: {  	s14 =	simm.s32 $0x7480  }
0x345: {  	[tilespmem:s14], [sflag:$0x1] =	stream.indirect_vreg.gather [hbm4b:s28+s3], $0x80, v4, vm0, $0xb8;
	[tilespmem:$0x10480] =	vst v63  }
0x346: {  	s21 =	simm.s32 $0x7C80;
	s22 =	simm.s32 $0x1  }
0x347: {  	[tilespmem:s21], [sflag:$0x1] =	stream.indirect_vreg.gather [hbm4b:s29+s3], $0x80, v4, vm0, $0xb8;
	[tilespmem:$0x10480] =	vst v63  }
0x348: {  	_ =	swait.ge [sflag:s22], $0x8000  }
0x349: {  	[sflag:s22] =	ssyncset.done $0x0  }
0x34a: {  	s23 =	simm.s32 $0x7;
	[sflag:s22] =	ssyncadd.s32 $0xFFFF8000  }
0x34b: {  	[hbm4b:s7+s3] =	stream.linear.scatter [tilespmem:s6], [sflag:$0x7], $0x8000, $0x38;
	[tilespmem:$0x10480] =	vst v63  }
0x34c: {  	_ =	swait.ge [sflag:s23], $0x8000  }
0x34d: {  	[sflag:s23] =	ssyncset.done $0x0  }
0x34e: {  	[sflag:s23] =	ssyncadd.s32 $0xFFFF8000  }
0x34f: {  	v4 =	vld.msk [tilespmem:$0x408], $0xff;
	_ =	sdelay $0x4  }
0x350: {  	v5 =	vshll.u32 v4, $0x5  }
0x351: {  	v4 =	vand.u32 $0x7, v4;
	v5 =	vand.u32 $0xFFFFFF00, v5  }
0x352: {  	v4 =	vor.u32 v4, v5  }
0x353: {  	v4 =	vperm.xlane v4, v1;
	_ =	sdelay $0x1  }
0x354: {  	v4 =	vadd.s32 v2, v4;
	_ =	sdelay $0x3  }
0x355: {  	s12 =	simm.s32 $0x8480  }
0x356: {  	[tilespmem:s12], [sflag:$0x2] =	stream.indirect_vreg.gather [hbm4b:s0+s3], $0x80, v4, vm0, $0xb8;
	[tilespmem:$0x10480] =	vst v63  }
0x357: {  	s25 =	simm.s32 $0x8C80  }
0x358: {  	[tilespmem:s25], [sflag:$0x2] =	stream.indirect_vreg.gather [hbm4b:s1+s3], $0x80, v4, vm0, $0xb8;
	[tilespmem:$0x10480] =	vst v63  }
0x359: {  	s30 =	simm.s32 $0x9480  }
0x35a: {  	[tilespmem:s30], [sflag:$0x2] =	stream.indirect_vreg.gather [hbm4b:s2+s3], $0x80, v4, vm0, $0xb8;
	[tilespmem:$0x10480] =	vst v63  }
0x35b: {  	s31 =	simm.s32 $0x9C80  }
0x35c: {  	[tilespmem:s31], [sflag:$0x2] =	stream.indirect_vreg.gather [hbm4b:s5+s3], $0x80, v4, vm0, $0xb8;
	[tilespmem:$0x10480] =	vst v63  }
0x35d: {  	s1 =	simm.s32 $0xA480  }
0x35e: {  	[tilespmem:s1], [sflag:$0x2] =	stream.indirect_vreg.gather [hbm4b:s9+s3], $0x80, v4, vm0, $0xb8;
	[tilespmem:$0x10480] =	vst v63  }
0x35f: {  	s2 =	simm.s32 $0xAC80  }
0x360: {  	[tilespmem:s2], [sflag:$0x2] =	stream.indirect_vreg.gather [hbm4b:s10+s3], $0x80, v4, vm0, $0xb8;
	[tilespmem:$0x10480] =	vst v63  }
0x361: {  	s5 =	simm.s32 $0xB480  }
0x362: {  	[tilespmem:s5], [sflag:$0x2] =	stream.indirect_vreg.gather [hbm4b:s11+s3], $0x80, v4, vm0, $0xb8;
	[tilespmem:$0x10480] =	vst v63  }
0x363: {  	s9 =	simm.s32 $0xBC80  }
0x364: {  	[tilespmem:s9], [sflag:$0x2] =	stream.indirect_vreg.gather [hbm4b:s15+s3], $0x80, v4, vm0, $0xb8;
	[tilespmem:$0x10480] =	vst v63  }
0x365: {  	s10 =	simm.s32 $0xC480  }
0x366: {  	[tilespmem:s10], [sflag:$0x2] =	stream.indirect_vreg.gather [hbm4b:s16+s3], $0x80, v4, vm0, $0xb8;
	[tilespmem:$0x10480] =	vst v63  }
0x367: {  	s11 =	simm.s32 $0xCC80  }
0x368: {  	[tilespmem:s11], [sflag:$0x2] =	stream.indirect_vreg.gather [hbm4b:s17+s3], $0x80, v4, vm0, $0xb8;
	[tilespmem:$0x10480] =	vst v63  }
0x369: {  	s13 =	simm.s32 $0xD480  }
0x36a: {  	[tilespmem:s13], [sflag:$0x2] =	stream.indirect_vreg.gather [hbm4b:s18+s3], $0x80, v4, vm0, $0xb8;
	[tilespmem:$0x10480] =	vst v63  }
0x36b: {  	s14 =	simm.s32 $0xDC80  }
0x36c: {  	[tilespmem:s14], [sflag:$0x2] =	stream.indirect_vreg.gather [hbm4b:s19+s3], $0x80, v4, vm0, $0xb8;
	[tilespmem:$0x10480] =	vst v63  }
0x36d: {  	s21 =	simm.s32 $0xE480  }
0x36e: {  	[tilespmem:s21], [sflag:$0x2] =	stream.indirect_vreg.gather [hbm4b:s20+s3], $0x80, v4, vm0, $0xb8;
	[tilespmem:$0x10480] =	vst v63  }
0x36f: {  	s22 =	simm.s32 $0xEC80  }
0x370: {  	[tilespmem:s22], [sflag:$0x2] =	stream.indirect_vreg.gather [hbm4b:s26+s3], $0x80, v4, vm0, $0xb8;
	[tilespmem:$0x10480] =	vst v63  }
0x371: {  	s23 =	simm.s32 $0xF480  }
0x372: {  	[tilespmem:s23], [sflag:$0x2] =	stream.indirect_vreg.gather [hbm4b:s28+s3], $0x80, v4, vm0, $0xb8;
	[tilespmem:$0x10480] =	vst v63  }
0x373: {  	s25 =	simm.s32 $0xFC80;
	s30 =	simm.s32 $0x2  }
0x374: {  	[tilespmem:s25], [sflag:$0x2] =	stream.indirect_vreg.gather [hbm4b:s29+s3], $0x80, v4, vm0, $0xb8;
	[tilespmem:$0x10480] =	vst v63  }
0x375: {  	_ =	swait.ge [sflag:s30], $0x8000  }
0x376: {  	[sflag:s30] =	ssyncset.done $0x0  }
.Ltmp18:
0x377: {  	s31 =	simm.s32 $0x6;
	[sflag:s30] =	ssyncadd.s32 $0xFFFF8000;
	(pc) =	sbr.rel .LBB2_18-.Ltmp18, $4  }
0x378: {  	[hbm4b:s8+s3] =	stream.linear.scatter [tilespmem:s12], [sflag:$0x6], $0x8000, $0x38;
	[tilespmem:$0x10480] =	vst v63  }
0x379: {  	_ =	swait.ge [sflag:s31], $0x8000  }
0x37a: {  	[sflag:s31] =	ssyncset.done $0x0  }
0x37b: {  	[sflag:s31] =	ssyncadd.s32 $0xFFFF8000  }
.LBB2_20:
0x37c: {  	_ =	sfence.sel $0x180000  }
0x37d: {  	[bflag:$0x0] =	sbarrier.arrive $0xFFFF  }
0x37e: {  	_ =	strace $0x90000047  }
0x37f: {  	s0 =	stileid.u32;
	[bflag:$0x2] =	sbarrier.arrive $0xFFFF  }
0x380: {  	p0 =	sne.s32 s0, $0x0;
	s0 =	rddreg [dreg:$0x3]  }
0x381: {  	s0 =	sadd.s32 @!p0 $0x100000, s0  }
0x382: {  	[sflag:s0] =	ssyncadd.tile.s32 @!p0 $0x1;
	_ =	shalt  }
.Lfunc_end2:
_tile_overlayer_lowered:
.L_overlay_start_2:
0x383: {  	(tag) =	ssettag $0x2  }
0x384: {  	s0 =	rddreg [dreg:$0x0];
	s2 =	stileid.u32  }
0x385: {  	s1 =	rddreg [dreg:$0x1];
	p0 =	sne.s32 s2, $0x0  }
0x386: {  	s3 =	rddreg [dreg:$0x2];
	[bflag:$0x3] =	sbarrier.arrive $0xFFFF;
	s2 =	simm.s32 @!p0 $0x1C06  }
0x387: {  	[timem:s3], [sflag:s2] =	dma.local @!p0 [hbm:s0], s1  }
0x388: {  	s0 =	simm.s32 @!p0 $0x6  }
0x389: {  	_ =	swait.ge @!p0 [sflag:s0], s1  }
0x38a: {  	s1 =	ssub.s32 @!p0 $0x0, s1;
	[sflag:s0] =	ssyncset.done @!p0 $0x0  }
0x38b: {  	[sflag:s0] =	ssyncadd.s32 @!p0 s1  }
0x38c: {  	[bflag:$0x3] =	sbarrier.arrive $0xFFFF  }
0x38d: {  	_ =	shalt  }

</sc_bundles>
